<compile_context>
chip_gen: v7x
topology: tpu7x:2x2x1
jax: 0.10.2.dev20260603
libtpu: 0.0.44.dev20260713+nightly
codegen_flags: <defaults>
</compile_context>

<pallas_src>
import functools

import jax
import jax.numpy as jnp
from jax import lax
from jax.experimental import pallas as pl
from jax.experimental.pallas import tpu as pltpu
from jax.experimental.pallas import tpu_sc as plsc

NC = 2
NS = 16
NW = NC * NS

C = 64
NBUF = 10
WGRP = 5


def _make_sc_gather(B, D, n_chunks):
    assert n_chunks % NBUF == 0
    n_groups = n_chunks // NBUF
    b_per_w = n_chunks * C
    mesh = plsc.VectorSubcoreMesh(core_axis_name="c", subcore_axis_name="s")

    nwg = NBUF // WGRP
    scratch = [pltpu.VMEM((b_per_w,), jnp.int32)]
    scratch += [pltpu.VMEM((NBUF * C, D), jnp.float32)]
    scratch += [pltpu.SemaphoreType.DMA for _ in range(NBUF + nwg)]

    @functools.partial(
        pl.kernel,
        mesh=mesh,
        out_type=jax.ShapeDtypeStruct((B, D), jnp.float32),
        scratch_types=scratch,
    )
    def k(table_hbm, idx_hbm, out_hbm, idx_v, rows, *sems):
        gsem = sems[:NBUF]
        wsem = sems[NBUF:]
        wid = lax.axis_index("s") * NC + lax.axis_index("c")
        base = wid * b_per_w
        pltpu.sync_copy(
            idx_hbm.at[pl.ds(pl.multiple_of(base, 8), b_per_w)], idx_v)

        def idx_slice(i):
            return idx_v.at[pl.ds(pl.multiple_of(i * C, 8), C)]

        def start_gather(i, b):
            pltpu.async_copy(
                table_hbm.at[idx_slice(i)],
                rows.at[pl.ds(b * C, C)], gsem[b])

        def wait_gather(b):
            pltpu.make_async_copy(
                table_hbm.at[idx_slice(0)],
                rows.at[pl.ds(b * C, C)], gsem[b]).wait()

        def start_write(i, p):
            pltpu.async_copy(
                rows.at[pl.ds(WGRP * p * C, WGRP * C)],
                out_hbm.at[pl.ds(base + i * C, WGRP * C)], wsem[p])

        def wait_write(p):
            pltpu.make_async_copy(
                rows.at[pl.ds(WGRP * p * C, WGRP * C)],
                out_hbm.at[pl.ds(base, WGRP * C)], wsem[p]).wait()

        for b in range(NBUF):
            start_gather(b, b)
        for p in range(nwg):
            for q in range(WGRP):
                wait_gather(WGRP * p + q)
            start_write(WGRP * p, p)

        def body(j, _):
            i0 = (j + 1) * NBUF
            for b in range(NBUF):
                if b % WGRP == 0:
                    wait_write(b // WGRP)
                start_gather(i0 + b, b)
            for p in range(nwg):
                for q in range(WGRP):
                    wait_gather(WGRP * p + q)
                start_write(i0 + WGRP * p, p)
            return 0

        lax.fori_loop(0, n_groups - 1, body, 0)
        for p in range(nwg):
            wait_write(p)

    return k


def kernel(seq, table):
    S0, T = seq.shape
    B = S0 * T
    D = table.shape[1]
    assert B % (NW * C) == 0
    n_chunks = B // (NW * C)
    idx = seq.T.astype(jnp.int32).reshape(B)
    out = _make_sc_gather(B, D, n_chunks)(table, idx)
    return out.reshape(T, S0, D).transpose(1, 0, 2)

# --- scband reference (transcript-rebuilt; emitter-appended) ---
"""Pipeline reference for scband-glove-embedder-55396488184606 (READ-ONLY COPY).

The authoritative reference and input builder live on the scoring server;
editing this copy changes nothing except your own understanding.
"""

import jax, jax.numpy as jnp
import numpy as np

NUM_EMBEDDINGS = 100000
EMBEDDING_DIM = 128
GLOVE_STD = 0.3836

def setup_inputs(seed: int = 0) -> dict:
    key = jax.random.key(seed)
    k_idx, k_tab = jax.random.split(key)
    seq = jax.random.randint(k_idx, (4096, 50), 0, NUM_EMBEDDINGS, dtype=jnp.int64 if jax.config.jax_enable_x64 else jnp.int32)
    # Simulates the GloVe-initialized weights matrix (mix of pretrained vectors and
    # normal(0, GLOVE_STD) fallback initialization for OOV tokens).
    table = jax.random.normal(k_tab, (NUM_EMBEDDINGS, EMBEDDING_DIM), dtype=jnp.float32) * GLOVE_STD
    return {"seq": seq, "table": table}

def reference(seq, table):
    # GloveEmbedder.forward: self.embeddings(seq) -> embedding lookup
    return jnp.take(table, seq, axis=0)

if __name__ == "__main__":
    import jax
    _d = setup_inputs()
    print(jax.jit(kernel)(*tuple(_d.values())))

</pallas_src>

<mosaic_0001>
#map = affine_map<(d0, d1) -> (0, 0)>
#map1 = affine_map<(d0, d1) -> (0)>
module attributes {stable_mosaic.version = 14 : i64} {
  func.func @k(%arg0: i32, %arg1: i32, %arg2: memref<100000x128xf32, #tpu.memory_space<hbm>>, %arg3: memref<204800xi32, #tpu.memory_space<hbm>>, %arg4: memref<204800x128xf32, #tpu.memory_space<hbm>>, %arg5: memref<6400xi32, #tpu.memory_space<vmem>>, %arg6: memref<640x128xf32, #tpu.memory_space<vmem>>, %arg7: memref<!tpu.dma_semaphore, #tpu.memory_space<semaphore_mem>>, %arg8: memref<!tpu.dma_semaphore, #tpu.memory_space<semaphore_mem>>, %arg9: memref<!tpu.dma_semaphore, #tpu.memory_space<semaphore_mem>>, %arg10: memref<!tpu.dma_semaphore, #tpu.memory_space<semaphore_mem>>, %arg11: memref<!tpu.dma_semaphore, #tpu.memory_space<semaphore_mem>>, %arg12: memref<!tpu.dma_semaphore, #tpu.memory_space<semaphore_mem>>, %arg13: memref<!tpu.dma_semaphore, #tpu.memory_space<semaphore_mem>>, %arg14: memref<!tpu.dma_semaphore, #tpu.memory_space<semaphore_mem>>, %arg15: memref<!tpu.dma_semaphore, #tpu.memory_space<semaphore_mem>>, %arg16: memref<!tpu.dma_semaphore, #tpu.memory_space<semaphore_mem>>, %arg17: memref<!tpu.dma_semaphore, #tpu.memory_space<semaphore_mem>>, %arg18: memref<!tpu.dma_semaphore, #tpu.memory_space<semaphore_mem>>) attributes {dimension_semantics = [#tpu.dimension_semantics<core_parallel>, #tpu.dimension_semantics<subcore_parallel>], iteration_bounds = array<i64: 2, 16>, scalar_prefetch = 0 : i64, scratch_operands = 14 : i64, tpu.core_type = #tpu.core_type<sc_vector_subcore>, window_params = [{transform_indices = #map}, {transform_indices = #map1}, {transform_indices = #map}]} {
    %mul3A = arith.constant 2 : i32
    %mul3A_0 = arith.muli %arg1, %mul3A : i32
    %add3A = arith.addi %mul3A_0, %arg0 : i32
    %mul3A_1 = arith.constant 6400 : i32
    %mul3A_2 = arith.muli %add3A, %mul3A_1 : i32
    %multiple_of3A = tpu.assume_multiple %mul3A_2, 8 : i32
    "tpu.region"() ({
      %run_scoped3A = tpu.sem_alloc : memref<!tpu.dma_semaphore, #tpu.memory_space<semaphore_mem>>
      %dma_start3A_231 = tpu.memref_slice %arg3[%multiple_of3A] : memref<204800xi32, #tpu.memory_space<hbm>> -> memref<6400xi32, #tpu.memory_space<hbm>>
      %dma_start3A_232 = tpu.memref_slice %arg3[%multiple_of3A] : memref<204800xi32, #tpu.memory_space<hbm>> -> memref<6400xi32, #tpu.memory_space<hbm>>
      tpu.enqueue_dma source(%dma_start3A_232 : memref<6400xi32, #tpu.memory_space<hbm>>) target(%arg5 : memref<6400xi32, #tpu.memory_space<vmem>>) target_semaphore(%run_scoped3A : memref<!tpu.dma_semaphore, #tpu.memory_space<semaphore_mem>>)
      %dma_wait3A_233 = tpu.memref_slice %arg3[%multiple_of3A] : memref<204800xi32, #tpu.memory_space<hbm>> -> memref<6400xi32, #tpu.memory_space<hbm>>
      %dma_wait3A_234 = tpu.memref_slice %arg3[%multiple_of3A] : memref<204800xi32, #tpu.memory_space<hbm>> -> memref<6400xi32, #tpu.memory_space<hbm>>
      tpu.wait_dma2 semaphore(%run_scoped3A : memref<!tpu.dma_semaphore, #tpu.memory_space<semaphore_mem>>) src(%dma_wait3A_234 : memref<6400xi32, #tpu.memory_space<hbm>>) dst(%arg5 : memref<6400xi32, #tpu.memory_space<vmem>>)
      tpu.yield
    }) : () -> ()
    %multiple_of3A_3 = arith.constant 0 : i32
    %multiple_of3A_4 = tpu.assume_multiple %multiple_of3A_3, 8 : i32
    %dma_start3A = arith.constant 0 : i32
    %dma_start3A_5 = arith.constant 0 : i32
    %dma_start3A_6 = tpu.memref_slice %arg6[%dma_start3A, %dma_start3A_5] : memref<640x128xf32, #tpu.memory_space<vmem>> -> memref<64x128xf32, #tpu.memory_space<vmem>>
    %dma_start3A_7 = tpu.memref_slice %arg5[%multiple_of3A_4] : memref<6400xi32, #tpu.memory_space<vmem>> -> memref<64xi32, #tpu.memory_space<vmem>>
    %dma_start3A_8 = arith.constant 0 : i32
    %dma_start3A_9 = arith.constant 0 : i32
    %dma_start3A_10 = tpu.memref_slice %arg2[%dma_start3A_8, %dma_start3A_9] : memref<100000x128xf32, #tpu.memory_space<hbm>> -> memref<100000x128xf32, #tpu.memory_space<hbm>>
    tpu.enqueue_indirect_dma source(%dma_start3A_10 : memref<100000x128xf32, #tpu.memory_space<hbm>>) target(%dma_start3A_6 : memref<64x128xf32, #tpu.memory_space<vmem>>) offsets(%dma_start3A_7 : memref<64xi32, #tpu.memory_space<vmem>>) semaphore(%arg7 : memref<!tpu.dma_semaphore, #tpu.memory_space<semaphore_mem>>)
    %multiple_of3A_11 = arith.constant 64 : i32
    %multiple_of3A_12 = tpu.assume_multiple %multiple_of3A_11, 8 : i32
    %dma_start3A_13 = arith.constant 64 : i32
    %dma_start3A_14 = arith.constant 0 : i32
    %dma_start3A_15 = tpu.memref_slice %arg6[%dma_start3A_13, %dma_start3A_14] : memref<640x128xf32, #tpu.memory_space<vmem>> -> memref<64x128xf32, #tpu.memory_space<vmem>>
    %dma_start3A_16 = tpu.memref_slice %arg5[%multiple_of3A_12] : memref<6400xi32, #tpu.memory_space<vmem>> -> memref<64xi32, #tpu.memory_space<vmem>>
    %dma_start3A_17 = arith.constant 0 : i32
    %dma_start3A_18 = arith.constant 0 : i32
    %dma_start3A_19 = tpu.memref_slice %arg2[%dma_start3A_17, %dma_start3A_18] : memref<100000x128xf32, #tpu.memory_space<hbm>> -> memref<100000x128xf32, #tpu.memory_space<hbm>>
    tpu.enqueue_indirect_dma source(%dma_start3A_19 : memref<100000x128xf32, #tpu.memory_space<hbm>>) target(%dma_start3A_15 : memref<64x128xf32, #tpu.memory_space<vmem>>) offsets(%dma_start3A_16 : memref<64xi32, #tpu.memory_space<vmem>>) semaphore(%arg8 : memref<!tpu.dma_semaphore, #tpu.memory_space<semaphore_mem>>)
    %multiple_of3A_20 = arith.constant 128 : i32
    %multiple_of3A_21 = tpu.assume_multiple %multiple_of3A_20, 8 : i32
    %dma_start3A_22 = arith.constant 128 : i32
    %dma_start3A_23 = arith.constant 0 : i32
    %dma_start3A_24 = tpu.memref_slice %arg6[%dma_start3A_22, %dma_start3A_23] : memref<640x128xf32, #tpu.memory_space<vmem>> -> memref<64x128xf32, #tpu.memory_space<vmem>>
    %dma_start3A_25 = tpu.memref_slice %arg5[%multiple_of3A_21] : memref<6400xi32, #tpu.memory_space<vmem>> -> memref<64xi32, #tpu.memory_space<vmem>>
    %dma_start3A_26 = arith.constant 0 : i32
    %dma_start3A_27 = arith.constant 0 : i32
    %dma_start3A_28 = tpu.memref_slice %arg2[%dma_start3A_26, %dma_start3A_27] : memref<100000x128xf32, #tpu.memory_space<hbm>> -> memref<100000x128xf32, #tpu.memory_space<hbm>>
    tpu.enqueue_indirect_dma source(%dma_start3A_28 : memref<100000x128xf32, #tpu.memory_space<hbm>>) target(%dma_start3A_24 : memref<64x128xf32, #tpu.memory_space<vmem>>) offsets(%dma_start3A_25 : memref<64xi32, #tpu.memory_space<vmem>>) semaphore(%arg9 : memref<!tpu.dma_semaphore, #tpu.memory_space<semaphore_mem>>)
    %multiple_of3A_29 = arith.constant 192 : i32
    %multiple_of3A_30 = tpu.assume_multiple %multiple_of3A_29, 8 : i32
    %dma_start3A_31 = arith.constant 192 : i32
    %dma_start3A_32 = arith.constant 0 : i32
    %dma_start3A_33 = tpu.memref_slice %arg6[%dma_start3A_31, %dma_start3A_32] : memref<640x128xf32, #tpu.memory_space<vmem>> -> memref<64x128xf32, #tpu.memory_space<vmem>>
    %dma_start3A_34 = tpu.memref_slice %arg5[%multiple_of3A_30] : memref<6400xi32, #tpu.memory_space<vmem>> -> memref<64xi32, #tpu.memory_space<vmem>>
    %dma_start3A_35 = arith.constant 0 : i32
    %dma_start3A_36 = arith.constant 0 : i32
    %dma_start3A_37 = tpu.memref_slice %arg2[%dma_start3A_35, %dma_start3A_36] : memref<100000x128xf32, #tpu.memory_space<hbm>> -> memref<100000x128xf32, #tpu.memory_space<hbm>>
    tpu.enqueue_indirect_dma source(%dma_start3A_37 : memref<100000x128xf32, #tpu.memory_space<hbm>>) target(%dma_start3A_33 : memref<64x128xf32, #tpu.memory_space<vmem>>) offsets(%dma_start3A_34 : memref<64xi32, #tpu.memory_space<vmem>>) semaphore(%arg10 : memref<!tpu.dma_semaphore, #tpu.memory_space<semaphore_mem>>)
    %multiple_of3A_38 = arith.constant 256 : i32
    %multiple_of3A_39 = tpu.assume_multiple %multiple_of3A_38, 8 : i32
    %dma_start3A_40 = arith.constant 256 : i32
    %dma_start3A_41 = arith.constant 0 : i32
    %dma_start3A_42 = tpu.memref_slice %arg6[%dma_start3A_40, %dma_start3A_41] : memref<640x128xf32, #tpu.memory_space<vmem>> -> memref<64x128xf32, #tpu.memory_space<vmem>>
    %dma_start3A_43 = tpu.memref_slice %arg5[%multiple_of3A_39] : memref<6400xi32, #tpu.memory_space<vmem>> -> memref<64xi32, #tpu.memory_space<vmem>>
    %dma_start3A_44 = arith.constant 0 : i32
    %dma_start3A_45 = arith.constant 0 : i32
    %dma_start3A_46 = tpu.memref_slice %arg2[%dma_start3A_44, %dma_start3A_45] : memref<100000x128xf32, #tpu.memory_space<hbm>> -> memref<100000x128xf32, #tpu.memory_space<hbm>>
    tpu.enqueue_indirect_dma source(%dma_start3A_46 : memref<100000x128xf32, #tpu.memory_space<hbm>>) target(%dma_start3A_42 : memref<64x128xf32, #tpu.memory_space<vmem>>) offsets(%dma_start3A_43 : memref<64xi32, #tpu.memory_space<vmem>>) semaphore(%arg11 : memref<!tpu.dma_semaphore, #tpu.memory_space<semaphore_mem>>)
    %multiple_of3A_47 = arith.constant 320 : i32
    %multiple_of3A_48 = tpu.assume_multiple %multiple_of3A_47, 8 : i32
    %dma_start3A_49 = arith.constant 320 : i32
    %dma_start3A_50 = arith.constant 0 : i32
    %dma_start3A_51 = tpu.memref_slice %arg6[%dma_start3A_49, %dma_start3A_50] : memref<640x128xf32, #tpu.memory_space<vmem>> -> memref<64x128xf32, #tpu.memory_space<vmem>>
    %dma_start3A_52 = tpu.memref_slice %arg5[%multiple_of3A_48] : memref<6400xi32, #tpu.memory_space<vmem>> -> memref<64xi32, #tpu.memory_space<vmem>>
    %dma_start3A_53 = arith.constant 0 : i32
    %dma_start3A_54 = arith.constant 0 : i32
    %dma_start3A_55 = tpu.memref_slice %arg2[%dma_start3A_53, %dma_start3A_54] : memref<100000x128xf32, #tpu.memory_space<hbm>> -> memref<100000x128xf32, #tpu.memory_space<hbm>>
    tpu.enqueue_indirect_dma source(%dma_start3A_55 : memref<100000x128xf32, #tpu.memory_space<hbm>>) target(%dma_start3A_51 : memref<64x128xf32, #tpu.memory_space<vmem>>) offsets(%dma_start3A_52 : memref<64xi32, #tpu.memory_space<vmem>>) semaphore(%arg12 : memref<!tpu.dma_semaphore, #tpu.memory_space<semaphore_mem>>)
    %multiple_of3A_56 = arith.constant 384 : i32
    %multiple_of3A_57 = tpu.assume_multiple %multiple_of3A_56, 8 : i32
    %dma_start3A_58 = arith.constant 384 : i32
    %dma_start3A_59 = arith.constant 0 : i32
    %dma_start3A_60 = tpu.memref_slice %arg6[%dma_start3A_58, %dma_start3A_59] : memref<640x128xf32, #tpu.memory_space<vmem>> -> memref<64x128xf32, #tpu.memory_space<vmem>>
    %dma_start3A_61 = tpu.memref_slice %arg5[%multiple_of3A_57] : memref<6400xi32, #tpu.memory_space<vmem>> -> memref<64xi32, #tpu.memory_space<vmem>>
    %dma_start3A_62 = arith.constant 0 : i32
    %dma_start3A_63 = arith.constant 0 : i32
    %dma_start3A_64 = tpu.memref_slice %arg2[%dma_start3A_62, %dma_start3A_63] : memref<100000x128xf32, #tpu.memory_space<hbm>> -> memref<100000x128xf32, #tpu.memory_space<hbm>>
    tpu.enqueue_indirect_dma source(%dma_start3A_64 : memref<100000x128xf32, #tpu.memory_space<hbm>>) target(%dma_start3A_60 : memref<64x128xf32, #tpu.memory_space<vmem>>) offsets(%dma_start3A_61 : memref<64xi32, #tpu.memory_space<vmem>>) semaphore(%arg13 : memref<!tpu.dma_semaphore, #tpu.memory_space<semaphore_mem>>)
    %multiple_of3A_65 = arith.constant 448 : i32
    %multiple_of3A_66 = tpu.assume_multiple %multiple_of3A_65, 8 : i32
    %dma_start3A_67 = arith.constant 448 : i32
    %dma_start3A_68 = arith.constant 0 : i32
    %dma_start3A_69 = tpu.memref_slice %arg6[%dma_start3A_67, %dma_start3A_68] : memref<640x128xf32, #tpu.memory_space<vmem>> -> memref<64x128xf32, #tpu.memory_space<vmem>>
    %dma_start3A_70 = tpu.memref_slice %arg5[%multiple_of3A_66] : memref<6400xi32, #tpu.memory_space<vmem>> -> memref<64xi32, #tpu.memory_space<vmem>>
    %dma_start3A_71 = arith.constant 0 : i32
    %dma_start3A_72 = arith.constant 0 : i32
    %dma_start3A_73 = tpu.memref_slice %arg2[%dma_start3A_71, %dma_start3A_72] : memref<100000x128xf32, #tpu.memory_space<hbm>> -> memref<100000x128xf32, #tpu.memory_space<hbm>>
    tpu.enqueue_indirect_dma source(%dma_start3A_73 : memref<100000x128xf32, #tpu.memory_space<hbm>>) target(%dma_start3A_69 : memref<64x128xf32, #tpu.memory_space<vmem>>) offsets(%dma_start3A_70 : memref<64xi32, #tpu.memory_space<vmem>>) semaphore(%arg14 : memref<!tpu.dma_semaphore, #tpu.memory_space<semaphore_mem>>)
    %multiple_of3A_74 = arith.constant 512 : i32
    %multiple_of3A_75 = tpu.assume_multiple %multiple_of3A_74, 8 : i32
    %dma_start3A_76 = arith.constant 512 : i32
    %dma_start3A_77 = arith.constant 0 : i32
    %dma_start3A_78 = tpu.memref_slice %arg6[%dma_start3A_76, %dma_start3A_77] : memref<640x128xf32, #tpu.memory_space<vmem>> -> memref<64x128xf32, #tpu.memory_space<vmem>>
    %dma_start3A_79 = tpu.memref_slice %arg5[%multiple_of3A_75] : memref<6400xi32, #tpu.memory_space<vmem>> -> memref<64xi32, #tpu.memory_space<vmem>>
    %dma_start3A_80 = arith.constant 0 : i32
    %dma_start3A_81 = arith.constant 0 : i32
    %dma_start3A_82 = tpu.memref_slice %arg2[%dma_start3A_80, %dma_start3A_81] : memref<100000x128xf32, #tpu.memory_space<hbm>> -> memref<100000x128xf32, #tpu.memory_space<hbm>>
    tpu.enqueue_indirect_dma source(%dma_start3A_82 : memref<100000x128xf32, #tpu.memory_space<hbm>>) target(%dma_start3A_78 : memref<64x128xf32, #tpu.memory_space<vmem>>) offsets(%dma_start3A_79 : memref<64xi32, #tpu.memory_space<vmem>>) semaphore(%arg15 : memref<!tpu.dma_semaphore, #tpu.memory_space<semaphore_mem>>)
    %multiple_of3A_83 = arith.constant 576 : i32
    %multiple_of3A_84 = tpu.assume_multiple %multiple_of3A_83, 8 : i32
    %dma_start3A_85 = arith.constant 576 : i32
    %dma_start3A_86 = arith.constant 0 : i32
    %dma_start3A_87 = tpu.memref_slice %arg6[%dma_start3A_85, %dma_start3A_86] : memref<640x128xf32, #tpu.memory_space<vmem>> -> memref<64x128xf32, #tpu.memory_space<vmem>>
    %dma_start3A_88 = tpu.memref_slice %arg5[%multiple_of3A_84] : memref<6400xi32, #tpu.memory_space<vmem>> -> memref<64xi32, #tpu.memory_space<vmem>>
    %dma_start3A_89 = arith.constant 0 : i32
    %dma_start3A_90 = arith.constant 0 : i32
    %dma_start3A_91 = tpu.memref_slice %arg2[%dma_start3A_89, %dma_start3A_90] : memref<100000x128xf32, #tpu.memory_space<hbm>> -> memref<100000x128xf32, #tpu.memory_space<hbm>>
    tpu.enqueue_indirect_dma source(%dma_start3A_91 : memref<100000x128xf32, #tpu.memory_space<hbm>>) target(%dma_start3A_87 : memref<64x128xf32, #tpu.memory_space<vmem>>) offsets(%dma_start3A_88 : memref<64xi32, #tpu.memory_space<vmem>>) semaphore(%arg16 : memref<!tpu.dma_semaphore, #tpu.memory_space<semaphore_mem>>)
    %multiple_of3A_92 = arith.constant 0 : i32
    %multiple_of3A_93 = tpu.assume_multiple %multiple_of3A_92, 8 : i32
    %dma_wait3A = arith.constant 0 : i32
    %dma_wait3A_94 = arith.constant 0 : i32
    %dma_wait3A_95 = tpu.memref_slice %arg6[%dma_wait3A, %dma_wait3A_94] : memref<640x128xf32, #tpu.memory_space<vmem>> -> memref<64x128xf32, #tpu.memory_space<vmem>>
    %dma_wait3A_96 = tpu.memref_slice %arg5[%multiple_of3A_93] : memref<6400xi32, #tpu.memory_space<vmem>> -> memref<64xi32, #tpu.memory_space<vmem>>
    %dma_wait3A_97 = arith.constant 0 : i32
    %dma_wait3A_98 = arith.constant 0 : i32
    %dma_wait3A_99 = tpu.memref_slice %arg2[%dma_wait3A_97, %dma_wait3A_98] : memref<100000x128xf32, #tpu.memory_space<hbm>> -> memref<100000x128xf32, #tpu.memory_space<hbm>>
    tpu.wait_indirect_dma semaphore(%arg7 : memref<!tpu.dma_semaphore, #tpu.memory_space<semaphore_mem>>) src(%dma_wait3A_99 : memref<100000x128xf32, #tpu.memory_space<hbm>>) dst(%dma_wait3A_95 : memref<64x128xf32, #tpu.memory_space<vmem>>)
    %multiple_of3A_100 = arith.constant 0 : i32
    %multiple_of3A_101 = tpu.assume_multiple %multiple_of3A_100, 8 : i32
    %dma_wait3A_102 = arith.constant 64 : i32
    %dma_wait3A_103 = arith.constant 0 : i32
    %dma_wait3A_104 = tpu.memref_slice %arg6[%dma_wait3A_102, %dma_wait3A_103] : memref<640x128xf32, #tpu.memory_space<vmem>> -> memref<64x128xf32, #tpu.memory_space<vmem>>
    %dma_wait3A_105 = tpu.memref_slice %arg5[%multiple_of3A_101] : memref<6400xi32, #tpu.memory_space<vmem>> -> memref<64xi32, #tpu.memory_space<vmem>>
    %dma_wait3A_106 = arith.constant 0 : i32
    %dma_wait3A_107 = arith.constant 0 : i32
    %dma_wait3A_108 = tpu.memref_slice %arg2[%dma_wait3A_106, %dma_wait3A_107] : memref<100000x128xf32, #tpu.memory_space<hbm>> -> memref<100000x128xf32, #tpu.memory_space<hbm>>
    tpu.wait_indirect_dma semaphore(%arg8 : memref<!tpu.dma_semaphore, #tpu.memory_space<semaphore_mem>>) src(%dma_wait3A_108 : memref<100000x128xf32, #tpu.memory_space<hbm>>) dst(%dma_wait3A_104 : memref<64x128xf32, #tpu.memory_space<vmem>>)
    %multiple_of3A_109 = arith.constant 0 : i32
    %multiple_of3A_110 = tpu.assume_multiple %multiple_of3A_109, 8 : i32
    %dma_wait3A_111 = arith.constant 128 : i32
    %dma_wait3A_112 = arith.constant 0 : i32
    %dma_wait3A_113 = tpu.memref_slice %arg6[%dma_wait3A_111, %dma_wait3A_112] : memref<640x128xf32, #tpu.memory_space<vmem>> -> memref<64x128xf32, #tpu.memory_space<vmem>>
    %dma_wait3A_114 = tpu.memref_slice %arg5[%multiple_of3A_110] : memref<6400xi32, #tpu.memory_space<vmem>> -> memref<64xi32, #tpu.memory_space<vmem>>
    %dma_wait3A_115 = arith.constant 0 : i32
    %dma_wait3A_116 = arith.constant 0 : i32
    %dma_wait3A_117 = tpu.memref_slice %arg2[%dma_wait3A_115, %dma_wait3A_116] : memref<100000x128xf32, #tpu.memory_space<hbm>> -> memref<100000x128xf32, #tpu.memory_space<hbm>>
    tpu.wait_indirect_dma semaphore(%arg9 : memref<!tpu.dma_semaphore, #tpu.memory_space<semaphore_mem>>) src(%dma_wait3A_117 : memref<100000x128xf32, #tpu.memory_space<hbm>>) dst(%dma_wait3A_113 : memref<64x128xf32, #tpu.memory_space<vmem>>)
    %multiple_of3A_118 = arith.constant 0 : i32
    %multiple_of3A_119 = tpu.assume_multiple %multiple_of3A_118, 8 : i32
    %dma_wait3A_120 = arith.constant 192 : i32
    %dma_wait3A_121 = arith.constant 0 : i32
    %dma_wait3A_122 = tpu.memref_slice %arg6[%dma_wait3A_120, %dma_wait3A_121] : memref<640x128xf32, #tpu.memory_space<vmem>> -> memref<64x128xf32, #tpu.memory_space<vmem>>
    %dma_wait3A_123 = tpu.memref_slice %arg5[%multiple_of3A_119] : memref<6400xi32, #tpu.memory_space<vmem>> -> memref<64xi32, #tpu.memory_space<vmem>>
    %dma_wait3A_124 = arith.constant 0 : i32
    %dma_wait3A_125 = arith.constant 0 : i32
    %dma_wait3A_126 = tpu.memref_slice %arg2[%dma_wait3A_124, %dma_wait3A_125] : memref<100000x128xf32, #tpu.memory_space<hbm>> -> memref<100000x128xf32, #tpu.memory_space<hbm>>
    tpu.wait_indirect_dma semaphore(%arg10 : memref<!tpu.dma_semaphore, #tpu.memory_space<semaphore_mem>>) src(%dma_wait3A_126 : memref<100000x128xf32, #tpu.memory_space<hbm>>) dst(%dma_wait3A_122 : memref<64x128xf32, #tpu.memory_space<vmem>>)
    %multiple_of3A_127 = arith.constant 0 : i32
    %multiple_of3A_128 = tpu.assume_multiple %multiple_of3A_127, 8 : i32
    %dma_wait3A_129 = arith.constant 256 : i32
    %dma_wait3A_130 = arith.constant 0 : i32
    %dma_wait3A_131 = tpu.memref_slice %arg6[%dma_wait3A_129, %dma_wait3A_130] : memref<640x128xf32, #tpu.memory_space<vmem>> -> memref<64x128xf32, #tpu.memory_space<vmem>>
    %dma_wait3A_132 = tpu.memref_slice %arg5[%multiple_of3A_128] : memref<6400xi32, #tpu.memory_space<vmem>> -> memref<64xi32, #tpu.memory_space<vmem>>
    %dma_wait3A_133 = arith.constant 0 : i32
    %dma_wait3A_134 = arith.constant 0 : i32
    %dma_wait3A_135 = tpu.memref_slice %arg2[%dma_wait3A_133, %dma_wait3A_134] : memref<100000x128xf32, #tpu.memory_space<hbm>> -> memref<100000x128xf32, #tpu.memory_space<hbm>>
    tpu.wait_indirect_dma semaphore(%arg11 : memref<!tpu.dma_semaphore, #tpu.memory_space<semaphore_mem>>) src(%dma_wait3A_135 : memref<100000x128xf32, #tpu.memory_space<hbm>>) dst(%dma_wait3A_131 : memref<64x128xf32, #tpu.memory_space<vmem>>)
    %add3A_136 = arith.constant 0 : i32
    %add3A_137 = arith.addi %mul3A_2, %add3A_136 : i32
    %dma_start3A_138 = arith.constant 0 : i32
    %dma_start3A_139 = arith.constant 0 : i32
    %dma_start3A_140 = tpu.memref_slice %arg6[%dma_start3A_138, %dma_start3A_139] : memref<640x128xf32, #tpu.memory_space<vmem>> -> memref<320x128xf32, #tpu.memory_space<vmem>>
    %dma_start3A_141 = arith.constant 0 : i32
    %dma_start3A_142 = tpu.memref_slice %arg4[%add3A_137, %dma_start3A_141] : memref<204800x128xf32, #tpu.memory_space<hbm>> -> memref<320x128xf32, #tpu.memory_space<hbm>>
    %dma_start3A_143 = arith.constant 0 : i32
    %dma_start3A_144 = tpu.memref_slice %arg4[%add3A_137, %dma_start3A_143] : memref<204800x128xf32, #tpu.memory_space<hbm>> -> memref<320x128xf32, #tpu.memory_space<hbm>>
    %dma_start3A_145 = arith.constant 0 : i32
    %dma_start3A_146 = arith.constant 0 : i32
    %dma_start3A_147 = tpu.memref_slice %arg6[%dma_start3A_145, %dma_start3A_146] : memref<640x128xf32, #tpu.memory_space<vmem>> -> memref<320x128xf32, #tpu.memory_space<vmem>>
    tpu.enqueue_dma source(%dma_start3A_147 : memref<320x128xf32, #tpu.memory_space<vmem>>) target(%dma_start3A_144 : memref<320x128xf32, #tpu.memory_space<hbm>>) target_semaphore(%arg17 : memref<!tpu.dma_semaphore, #tpu.memory_space<semaphore_mem>>)
    %multiple_of3A_148 = arith.constant 0 : i32
    %multiple_of3A_149 = tpu.assume_multiple %multiple_of3A_148, 8 : i32
    %dma_wait3A_150 = arith.constant 320 : i32
    %dma_wait3A_151 = arith.constant 0 : i32
    %dma_wait3A_152 = tpu.memref_slice %arg6[%dma_wait3A_150, %dma_wait3A_151] : memref<640x128xf32, #tpu.memory_space<vmem>> -> memref<64x128xf32, #tpu.memory_space<vmem>>
    %dma_wait3A_153 = tpu.memref_slice %arg5[%multiple_of3A_149] : memref<6400xi32, #tpu.memory_space<vmem>> -> memref<64xi32, #tpu.memory_space<vmem>>
    %dma_wait3A_154 = arith.constant 0 : i32
    %dma_wait3A_155 = arith.constant 0 : i32
    %dma_wait3A_156 = tpu.memref_slice %arg2[%dma_wait3A_154, %dma_wait3A_155] : memref<100000x128xf32, #tpu.memory_space<hbm>> -> memref<100000x128xf32, #tpu.memory_space<hbm>>
    tpu.wait_indirect_dma semaphore(%arg12 : memref<!tpu.dma_semaphore, #tpu.memory_space<semaphore_mem>>) src(%dma_wait3A_156 : memref<100000x128xf32, #tpu.memory_space<hbm>>) dst(%dma_wait3A_152 : memref<64x128xf32, #tpu.memory_space<vmem>>)
    %multiple_of3A_157 = arith.constant 0 : i32
    %multiple_of3A_158 = tpu.assume_multiple %multiple_of3A_157, 8 : i32
    %dma_wait3A_159 = arith.constant 384 : i32
    %dma_wait3A_160 = arith.constant 0 : i32
    %dma_wait3A_161 = tpu.memref_slice %arg6[%dma_wait3A_159, %dma_wait3A_160] : memref<640x128xf32, #tpu.memory_space<vmem>> -> memref<64x128xf32, #tpu.memory_space<vmem>>
    %dma_wait3A_162 = tpu.memref_slice %arg5[%multiple_of3A_158] : memref<6400xi32, #tpu.memory_space<vmem>> -> memref<64xi32, #tpu.memory_space<vmem>>
    %dma_wait3A_163 = arith.constant 0 : i32
    %dma_wait3A_164 = arith.constant 0 : i32
    %dma_wait3A_165 = tpu.memref_slice %arg2[%dma_wait3A_163, %dma_wait3A_164] : memref<100000x128xf32, #tpu.memory_space<hbm>> -> memref<100000x128xf32, #tpu.memory_space<hbm>>
    tpu.wait_indirect_dma semaphore(%arg13 : memref<!tpu.dma_semaphore, #tpu.memory_space<semaphore_mem>>) src(%dma_wait3A_165 : memref<100000x128xf32, #tpu.memory_space<hbm>>) dst(%dma_wait3A_161 : memref<64x128xf32, #tpu.memory_space<vmem>>)
    %multiple_of3A_166 = arith.constant 0 : i32
    %multiple_of3A_167 = tpu.assume_multiple %multiple_of3A_166, 8 : i32
    %dma_wait3A_168 = arith.constant 448 : i32
    %dma_wait3A_169 = arith.constant 0 : i32
    %dma_wait3A_170 = tpu.memref_slice %arg6[%dma_wait3A_168, %dma_wait3A_169] : memref<640x128xf32, #tpu.memory_space<vmem>> -> memref<64x128xf32, #tpu.memory_space<vmem>>
    %dma_wait3A_171 = tpu.memref_slice %arg5[%multiple_of3A_167] : memref<6400xi32, #tpu.memory_space<vmem>> -> memref<64xi32, #tpu.memory_space<vmem>>
    %dma_wait3A_172 = arith.constant 0 : i32
    %dma_wait3A_173 = arith.constant 0 : i32
    %dma_wait3A_174 = tpu.memref_slice %arg2[%dma_wait3A_172, %dma_wait3A_173] : memref<100000x128xf32, #tpu.memory_space<hbm>> -> memref<100000x128xf32, #tpu.memory_space<hbm>>
    tpu.wait_indirect_dma semaphore(%arg14 : memref<!tpu.dma_semaphore, #tpu.memory_space<semaphore_mem>>) src(%dma_wait3A_174 : memref<100000x128xf32, #tpu.memory_space<hbm>>) dst(%dma_wait3A_170 : memref<64x128xf32, #tpu.memory_space<vmem>>)
    %multiple_of3A_175 = arith.constant 0 : i32
    %multiple_of3A_176 = tpu.assume_multiple %multiple_of3A_175, 8 : i32
    %dma_wait3A_177 = arith.constant 512 : i32
    %dma_wait3A_178 = arith.constant 0 : i32
    %dma_wait3A_179 = tpu.memref_slice %arg6[%dma_wait3A_177, %dma_wait3A_178] : memref<640x128xf32, #tpu.memory_space<vmem>> -> memref<64x128xf32, #tpu.memory_space<vmem>>
    %dma_wait3A_180 = tpu.memref_slice %arg5[%multiple_of3A_176] : memref<6400xi32, #tpu.memory_space<vmem>> -> memref<64xi32, #tpu.memory_space<vmem>>
    %dma_wait3A_181 = arith.constant 0 : i32
    %dma_wait3A_182 = arith.constant 0 : i32
    %dma_wait3A_183 = tpu.memref_slice %arg2[%dma_wait3A_181, %dma_wait3A_182] : memref<100000x128xf32, #tpu.memory_space<hbm>> -> memref<100000x128xf32, #tpu.memory_space<hbm>>
    tpu.wait_indirect_dma semaphore(%arg15 : memref<!tpu.dma_semaphore, #tpu.memory_space<semaphore_mem>>) src(%dma_wait3A_183 : memref<100000x128xf32, #tpu.memory_space<hbm>>) dst(%dma_wait3A_179 : memref<64x128xf32, #tpu.memory_space<vmem>>)
    %multiple_of3A_184 = arith.constant 0 : i32
    %multiple_of3A_185 = tpu.assume_multiple %multiple_of3A_184, 8 : i32
    %dma_wait3A_186 = arith.constant 576 : i32
    %dma_wait3A_187 = arith.constant 0 : i32
    %dma_wait3A_188 = tpu.memref_slice %arg6[%dma_wait3A_186, %dma_wait3A_187] : memref<640x128xf32, #tpu.memory_space<vmem>> -> memref<64x128xf32, #tpu.memory_space<vmem>>
    %dma_wait3A_189 = tpu.memref_slice %arg5[%multiple_of3A_185] : memref<6400xi32, #tpu.memory_space<vmem>> -> memref<64xi32, #tpu.memory_space<vmem>>
    %dma_wait3A_190 = arith.constant 0 : i32
    %dma_wait3A_191 = arith.constant 0 : i32
    %dma_wait3A_192 = tpu.memref_slice %arg2[%dma_wait3A_190, %dma_wait3A_191] : memref<100000x128xf32, #tpu.memory_space<hbm>> -> memref<100000x128xf32, #tpu.memory_space<hbm>>
    tpu.wait_indirect_dma semaphore(%arg16 : memref<!tpu.dma_semaphore, #tpu.memory_space<semaphore_mem>>) src(%dma_wait3A_192 : memref<100000x128xf32, #tpu.memory_space<hbm>>) dst(%dma_wait3A_188 : memref<64x128xf32, #tpu.memory_space<vmem>>)
    %add3A_193 = arith.constant 320 : i32
    %add3A_194 = arith.addi %mul3A_2, %add3A_193 : i32
    %dma_start3A_195 = arith.constant 320 : i32
    %dma_start3A_196 = arith.constant 0 : i32
    %dma_start3A_197 = tpu.memref_slice %arg6[%dma_start3A_195, %dma_start3A_196] : memref<640x128xf32, #tpu.memory_space<vmem>> -> memref<320x128xf32, #tpu.memory_space<vmem>>
    %dma_start3A_198 = arith.constant 0 : i32
    %dma_start3A_199 = tpu.memref_slice %arg4[%add3A_194, %dma_start3A_198] : memref<204800x128xf32, #tpu.memory_space<hbm>> -> memref<320x128xf32, #tpu.memory_space<hbm>>
    %dma_start3A_200 = arith.constant 0 : i32
    %dma_start3A_201 = tpu.memref_slice %arg4[%add3A_194, %dma_start3A_200] : memref<204800x128xf32, #tpu.memory_space<hbm>> -> memref<320x128xf32, #tpu.memory_space<hbm>>
    %dma_start3A_202 = arith.constant 320 : i32
    %dma_start3A_203 = arith.constant 0 : i32
    %dma_start3A_204 = tpu.memref_slice %arg6[%dma_start3A_202, %dma_start3A_203] : memref<640x128xf32, #tpu.memory_space<vmem>> -> memref<320x128xf32, #tpu.memory_space<vmem>>
    tpu.enqueue_dma source(%dma_start3A_204 : memref<320x128xf32, #tpu.memory_space<vmem>>) target(%dma_start3A_201 : memref<320x128xf32, #tpu.memory_space<hbm>>) target_semaphore(%arg18 : memref<!tpu.dma_semaphore, #tpu.memory_space<semaphore_mem>>)
    %scan3A = arith.constant 0 : i32
    %scan3A_205 = arith.constant 0 : i32
    %scan3A_206 = arith.constant 9 : i32
    %scan3A_207 = arith.addi %scan3A_205, %scan3A_206 : i32
    %scan3A_208 = arith.constant 1 : i32
    %scan3A_209 = scf.for %scan3A_231 = %scan3A_205 to %scan3A_207 step %scan3A_208 iter_args(%scan3A_232 = %scan3A) -> (i32)  : i32 {
      %add3A_233 = arith.constant 1 : i32
      %add3A_234 = arith.addi %scan3A_231, %add3A_233 : i32
      %mul3A_235 = arith.constant 10 : i32
      %mul3A_236 = arith.muli %add3A_234, %mul3A_235 : i32
      %dma_wait3A_237 = arith.constant 0 : i32
      %dma_wait3A_238 = arith.constant 0 : i32
      %dma_wait3A_239 = tpu.memref_slice %arg6[%dma_wait3A_237, %dma_wait3A_238] : memref<640x128xf32, #tpu.memory_space<vmem>> -> memref<320x128xf32, #tpu.memory_space<vmem>>
      %dma_wait3A_240 = arith.constant 0 : i32
      %dma_wait3A_241 = tpu.memref_slice %arg4[%mul3A_2, %dma_wait3A_240] : memref<204800x128xf32, #tpu.memory_space<hbm>> -> memref<320x128xf32, #tpu.memory_space<hbm>>
      %dma_wait3A_242 = arith.constant 0 : i32
      %dma_wait3A_243 = tpu.memref_slice %arg4[%mul3A_2, %dma_wait3A_242] : memref<204800x128xf32, #tpu.memory_space<hbm>> -> memref<320x128xf32, #tpu.memory_space<hbm>>
      %dma_wait3A_244 = arith.constant 0 : i32
      %dma_wait3A_245 = arith.constant 0 : i32
      %dma_wait3A_246 = tpu.memref_slice %arg6[%dma_wait3A_244, %dma_wait3A_245] : memref<640x128xf32, #tpu.memory_space<vmem>> -> memref<320x128xf32, #tpu.memory_space<vmem>>
      tpu.wait_dma2 semaphore(%arg17 : memref<!tpu.dma_semaphore, #tpu.memory_space<semaphore_mem>>) src(%dma_wait3A_246 : memref<320x128xf32, #tpu.memory_space<vmem>>) dst(%dma_wait3A_243 : memref<320x128xf32, #tpu.memory_space<hbm>>)
      %add3A_247 = arith.constant 0 : i32
      %add3A_248 = arith.addi %mul3A_236, %add3A_247 : i32
      %mul3A_249 = arith.constant 64 : i32
      %mul3A_250 = arith.muli %add3A_248, %mul3A_249 : i32
      %multiple_of3A_251 = tpu.assume_multiple %mul3A_250, 8 : i32
      %dma_start3A_252 = arith.constant 0 : i32
      %dma_start3A_253 = arith.constant 0 : i32
      %dma_start3A_254 = tpu.memref_slice %arg6[%dma_start3A_252, %dma_start3A_253] : memref<640x128xf32, #tpu.memory_space<vmem>> -> memref<64x128xf32, #tpu.memory_space<vmem>>
      %dma_start3A_255 = tpu.memref_slice %arg5[%multiple_of3A_251] : memref<6400xi32, #tpu.memory_space<vmem>> -> memref<64xi32, #tpu.memory_space<vmem>>
      %dma_start3A_256 = arith.constant 0 : i32
      %dma_start3A_257 = arith.constant 0 : i32
      %dma_start3A_258 = tpu.memref_slice %arg2[%dma_start3A_256, %dma_start3A_257] : memref<100000x128xf32, #tpu.memory_space<hbm>> -> memref<100000x128xf32, #tpu.memory_space<hbm>>
      tpu.enqueue_indirect_dma source(%dma_start3A_258 : memref<100000x128xf32, #tpu.memory_space<hbm>>) target(%dma_start3A_254 : memref<64x128xf32, #tpu.memory_space<vmem>>) offsets(%dma_start3A_255 : memref<64xi32, #tpu.memory_space<vmem>>) semaphore(%arg7 : memref<!tpu.dma_semaphore, #tpu.memory_space<semaphore_mem>>)
      %add3A_259 = arith.constant 1 : i32
      %add3A_260 = arith.addi %mul3A_236, %add3A_259 : i32
      %mul3A_261 = arith.constant 64 : i32
      %mul3A_262 = arith.muli %add3A_260, %mul3A_261 : i32
      %multiple_of3A_263 = tpu.assume_multiple %mul3A_262, 8 : i32
      %dma_start3A_264 = arith.constant 64 : i32
      %dma_start3A_265 = arith.constant 0 : i32
      %dma_start3A_266 = tpu.memref_slice %arg6[%dma_start3A_264, %dma_start3A_265] : memref<640x128xf32, #tpu.memory_space<vmem>> -> memref<64x128xf32, #tpu.memory_space<vmem>>
      %dma_start3A_267 = tpu.memref_slice %arg5[%multiple_of3A_263] : memref<6400xi32, #tpu.memory_space<vmem>> -> memref<64xi32, #tpu.memory_space<vmem>>
      %dma_start3A_268 = arith.constant 0 : i32
      %dma_start3A_269 = arith.constant 0 : i32
      %dma_start3A_270 = tpu.memref_slice %arg2[%dma_start3A_268, %dma_start3A_269] : memref<100000x128xf32, #tpu.memory_space<hbm>> -> memref<100000x128xf32, #tpu.memory_space<hbm>>
      tpu.enqueue_indirect_dma source(%dma_start3A_270 : memref<100000x128xf32, #tpu.memory_space<hbm>>) target(%dma_start3A_266 : memref<64x128xf32, #tpu.memory_space<vmem>>) offsets(%dma_start3A_267 : memref<64xi32, #tpu.memory_space<vmem>>) semaphore(%arg8 : memref<!tpu.dma_semaphore, #tpu.memory_space<semaphore_mem>>)
      %add3A_271 = arith.constant 2 : i32
      %add3A_272 = arith.addi %mul3A_236, %add3A_271 : i32
      %mul3A_273 = arith.constant 64 : i32
      %mul3A_274 = arith.muli %add3A_272, %mul3A_273 : i32
      %multiple_of3A_275 = tpu.assume_multiple %mul3A_274, 8 : i32
      %dma_start3A_276 = arith.constant 128 : i32
      %dma_start3A_277 = arith.constant 0 : i32
      %dma_start3A_278 = tpu.memref_slice %arg6[%dma_start3A_276, %dma_start3A_277] : memref<640x128xf32, #tpu.memory_space<vmem>> -> memref<64x128xf32, #tpu.memory_space<vmem>>
      %dma_start3A_279 = tpu.memref_slice %arg5[%multiple_of3A_275] : memref<6400xi32, #tpu.memory_space<vmem>> -> memref<64xi32, #tpu.memory_space<vmem>>
      %dma_start3A_280 = arith.constant 0 : i32
      %dma_start3A_281 = arith.constant 0 : i32
      %dma_start3A_282 = tpu.memref_slice %arg2[%dma_start3A_280, %dma_start3A_281] : memref<100000x128xf32, #tpu.memory_space<hbm>> -> memref<100000x128xf32, #tpu.memory_space<hbm>>
      tpu.enqueue_indirect_dma source(%dma_start3A_282 : memref<100000x128xf32, #tpu.memory_space<hbm>>) target(%dma_start3A_278 : memref<64x128xf32, #tpu.memory_space<vmem>>) offsets(%dma_start3A_279 : memref<64xi32, #tpu.memory_space<vmem>>) semaphore(%arg9 : memref<!tpu.dma_semaphore, #tpu.memory_space<semaphore_mem>>)
      %add3A_283 = arith.constant 3 : i32
      %add3A_284 = arith.addi %mul3A_236, %add3A_283 : i32
      %mul3A_285 = arith.constant 64 : i32
      %mul3A_286 = arith.muli %add3A_284, %mul3A_285 : i32
      %multiple_of3A_287 = tpu.assume_multiple %mul3A_286, 8 : i32
      %dma_start3A_288 = arith.constant 192 : i32
      %dma_start3A_289 = arith.constant 0 : i32
      %dma_start3A_290 = tpu.memref_slice %arg6[%dma_start3A_288, %dma_start3A_289] : memref<640x128xf32, #tpu.memory_space<vmem>> -> memref<64x128xf32, #tpu.memory_space<vmem>>
      %dma_start3A_291 = tpu.memref_slice %arg5[%multiple_of3A_287] : memref<6400xi32, #tpu.memory_space<vmem>> -> memref<64xi32, #tpu.memory_space<vmem>>
      %dma_start3A_292 = arith.constant 0 : i32
      %dma_start3A_293 = arith.constant 0 : i32
      %dma_start3A_294 = tpu.memref_slice %arg2[%dma_start3A_292, %dma_start3A_293] : memref<100000x128xf32, #tpu.memory_space<hbm>> -> memref<100000x128xf32, #tpu.memory_space<hbm>>
      tpu.enqueue_indirect_dma source(%dma_start3A_294 : memref<100000x128xf32, #tpu.memory_space<hbm>>) target(%dma_start3A_290 : memref<64x128xf32, #tpu.memory_space<vmem>>) offsets(%dma_start3A_291 : memref<64xi32, #tpu.memory_space<vmem>>) semaphore(%arg10 : memref<!tpu.dma_semaphore, #tpu.memory_space<semaphore_mem>>)
      %add3A_295 = arith.constant 4 : i32
      %add3A_296 = arith.addi %mul3A_236, %add3A_295 : i32
      %mul3A_297 = arith.constant 64 : i32
      %mul3A_298 = arith.muli %add3A_296, %mul3A_297 : i32
      %multiple_of3A_299 = tpu.assume_multiple %mul3A_298, 8 : i32
      %dma_start3A_300 = arith.constant 256 : i32
      %dma_start3A_301 = arith.constant 0 : i32
      %dma_start3A_302 = tpu.memref_slice %arg6[%dma_start3A_300, %dma_start3A_301] : memref<640x128xf32, #tpu.memory_space<vmem>> -> memref<64x128xf32, #tpu.memory_space<vmem>>
      %dma_start3A_303 = tpu.memref_slice %arg5[%multiple_of3A_299] : memref<6400xi32, #tpu.memory_space<vmem>> -> memref<64xi32, #tpu.memory_space<vmem>>
      %dma_start3A_304 = arith.constant 0 : i32
      %dma_start3A_305 = arith.constant 0 : i32
      %dma_start3A_306 = tpu.memref_slice %arg2[%dma_start3A_304, %dma_start3A_305] : memref<100000x128xf32, #tpu.memory_space<hbm>> -> memref<100000x128xf32, #tpu.memory_space<hbm>>
      tpu.enqueue_indirect_dma source(%dma_start3A_306 : memref<100000x128xf32, #tpu.memory_space<hbm>>) target(%dma_start3A_302 : memref<64x128xf32, #tpu.memory_space<vmem>>) offsets(%dma_start3A_303 : memref<64xi32, #tpu.memory_space<vmem>>) semaphore(%arg11 : memref<!tpu.dma_semaphore, #tpu.memory_space<semaphore_mem>>)
      %dma_wait3A_307 = arith.constant 320 : i32
      %dma_wait3A_308 = arith.constant 0 : i32
      %dma_wait3A_309 = tpu.memref_slice %arg6[%dma_wait3A_307, %dma_wait3A_308] : memref<640x128xf32, #tpu.memory_space<vmem>> -> memref<320x128xf32, #tpu.memory_space<vmem>>
      %dma_wait3A_310 = arith.constant 0 : i32
      %dma_wait3A_311 = tpu.memref_slice %arg4[%mul3A_2, %dma_wait3A_310] : memref<204800x128xf32, #tpu.memory_space<hbm>> -> memref<320x128xf32, #tpu.memory_space<hbm>>
      %dma_wait3A_312 = arith.constant 0 : i32
      %dma_wait3A_313 = tpu.memref_slice %arg4[%mul3A_2, %dma_wait3A_312] : memref<204800x128xf32, #tpu.memory_space<hbm>> -> memref<320x128xf32, #tpu.memory_space<hbm>>
      %dma_wait3A_314 = arith.constant 320 : i32
      %dma_wait3A_315 = arith.constant 0 : i32
      %dma_wait3A_316 = tpu.memref_slice %arg6[%dma_wait3A_314, %dma_wait3A_315] : memref<640x128xf32, #tpu.memory_space<vmem>> -> memref<320x128xf32, #tpu.memory_space<vmem>>
      tpu.wait_dma2 semaphore(%arg18 : memref<!tpu.dma_semaphore, #tpu.memory_space<semaphore_mem>>) src(%dma_wait3A_316 : memref<320x128xf32, #tpu.memory_space<vmem>>) dst(%dma_wait3A_313 : memref<320x128xf32, #tpu.memory_space<hbm>>)
      %add3A_317 = arith.constant 5 : i32
      %add3A_318 = arith.addi %mul3A_236, %add3A_317 : i32
      %mul3A_319 = arith.constant 64 : i32
      %mul3A_320 = arith.muli %add3A_318, %mul3A_319 : i32
      %multiple_of3A_321 = tpu.assume_multiple %mul3A_320, 8 : i32
      %dma_start3A_322 = arith.constant 320 : i32
      %dma_start3A_323 = arith.constant 0 : i32
      %dma_start3A_324 = tpu.memref_slice %arg6[%dma_start3A_322, %dma_start3A_323] : memref<640x128xf32, #tpu.memory_space<vmem>> -> memref<64x128xf32, #tpu.memory_space<vmem>>
      %dma_start3A_325 = tpu.memref_slice %arg5[%multiple_of3A_321] : memref<6400xi32, #tpu.memory_space<vmem>> -> memref<64xi32, #tpu.memory_space<vmem>>
      %dma_start3A_326 = arith.constant 0 : i32
      %dma_start3A_327 = arith.constant 0 : i32
      %dma_start3A_328 = tpu.memref_slice %arg2[%dma_start3A_326, %dma_start3A_327] : memref<100000x128xf32, #tpu.memory_space<hbm>> -> memref<100000x128xf32, #tpu.memory_space<hbm>>
      tpu.enqueue_indirect_dma source(%dma_start3A_328 : memref<100000x128xf32, #tpu.memory_space<hbm>>) target(%dma_start3A_324 : memref<64x128xf32, #tpu.memory_space<vmem>>) offsets(%dma_start3A_325 : memref<64xi32, #tpu.memory_space<vmem>>) semaphore(%arg12 : memref<!tpu.dma_semaphore, #tpu.memory_space<semaphore_mem>>)
      %add3A_329 = arith.constant 6 : i32
      %add3A_330 = arith.addi %mul3A_236, %add3A_329 : i32
      %mul3A_331 = arith.constant 64 : i32
      %mul3A_332 = arith.muli %add3A_330, %mul3A_331 : i32
      %multiple_of3A_333 = tpu.assume_multiple %mul3A_332, 8 : i32
      %dma_start3A_334 = arith.constant 384 : i32
      %dma_start3A_335 = arith.constant 0 : i32
      %dma_start3A_336 = tpu.memref_slice %arg6[%dma_start3A_334, %dma_start3A_335] : memref<640x128xf32, #tpu.memory_space<vmem>> -> memref<64x128xf32, #tpu.memory_space<vmem>>
      %dma_start3A_337 = tpu.memref_slice %arg5[%multiple_of3A_333] : memref<6400xi32, #tpu.memory_space<vmem>> -> memref<64xi32, #tpu.memory_space<vmem>>
      %dma_start3A_338 = arith.constant 0 : i32
      %dma_start3A_339 = arith.constant 0 : i32
      %dma_start3A_340 = tpu.memref_slice %arg2[%dma_start3A_338, %dma_start3A_339] : memref<100000x128xf32, #tpu.memory_space<hbm>> -> memref<100000x128xf32, #tpu.memory_space<hbm>>
      tpu.enqueue_indirect_dma source(%dma_start3A_340 : memref<100000x128xf32, #tpu.memory_space<hbm>>) target(%dma_start3A_336 : memref<64x128xf32, #tpu.memory_space<vmem>>) offsets(%dma_start3A_337 : memref<64xi32, #tpu.memory_space<vmem>>) semaphore(%arg13 : memref<!tpu.dma_semaphore, #tpu.memory_space<semaphore_mem>>)
      %add3A_341 = arith.constant 7 : i32
      %add3A_342 = arith.addi %mul3A_236, %add3A_341 : i32
      %mul3A_343 = arith.constant 64 : i32
      %mul3A_344 = arith.muli %add3A_342, %mul3A_343 : i32
      %multiple_of3A_345 = tpu.assume_multiple %mul3A_344, 8 : i32
      %dma_start3A_346 = arith.constant 448 : i32
      %dma_start3A_347 = arith.constant 0 : i32
      %dma_start3A_348 = tpu.memref_slice %arg6[%dma_start3A_346, %dma_start3A_347] : memref<640x128xf32, #tpu.memory_space<vmem>> -> memref<64x128xf32, #tpu.memory_space<vmem>>
      %dma_start3A_349 = tpu.memref_slice %arg5[%multiple_of3A_345] : memref<6400xi32, #tpu.memory_space<vmem>> -> memref<64xi32, #tpu.memory_space<vmem>>
      %dma_start3A_350 = arith.constant 0 : i32
      %dma_start3A_351 = arith.constant 0 : i32
      %dma_start3A_352 = tpu.memref_slice %arg2[%dma_start3A_350, %dma_start3A_351] : memref<100000x128xf32, #tpu.memory_space<hbm>> -> memref<100000x128xf32, #tpu.memory_space<hbm>>
      tpu.enqueue_indirect_dma source(%dma_start3A_352 : memref<100000x128xf32, #tpu.memory_space<hbm>>) target(%dma_start3A_348 : memref<64x128xf32, #tpu.memory_space<vmem>>) offsets(%dma_start3A_349 : memref<64xi32, #tpu.memory_space<vmem>>) semaphore(%arg14 : memref<!tpu.dma_semaphore, #tpu.memory_space<semaphore_mem>>)
      %add3A_353 = arith.constant 8 : i32
      %add3A_354 = arith.addi %mul3A_236, %add3A_353 : i32
      %mul3A_355 = arith.constant 64 : i32
      %mul3A_356 = arith.muli %add3A_354, %mul3A_355 : i32
      %multiple_of3A_357 = tpu.assume_multiple %mul3A_356, 8 : i32
      %dma_start3A_358 = arith.constant 512 : i32
      %dma_start3A_359 = arith.constant 0 : i32
      %dma_start3A_360 = tpu.memref_slice %arg6[%dma_start3A_358, %dma_start3A_359] : memref<640x128xf32, #tpu.memory_space<vmem>> -> memref<64x128xf32, #tpu.memory_space<vmem>>
      %dma_start3A_361 = tpu.memref_slice %arg5[%multiple_of3A_357] : memref<6400xi32, #tpu.memory_space<vmem>> -> memref<64xi32, #tpu.memory_space<vmem>>
      %dma_start3A_362 = arith.constant 0 : i32
      %dma_start3A_363 = arith.constant 0 : i32
      %dma_start3A_364 = tpu.memref_slice %arg2[%dma_start3A_362, %dma_start3A_363] : memref<100000x128xf32, #tpu.memory_space<hbm>> -> memref<100000x128xf32, #tpu.memory_space<hbm>>
      tpu.enqueue_indirect_dma source(%dma_start3A_364 : memref<100000x128xf32, #tpu.memory_space<hbm>>) target(%dma_start3A_360 : memref<64x128xf32, #tpu.memory_space<vmem>>) offsets(%dma_start3A_361 : memref<64xi32, #tpu.memory_space<vmem>>) semaphore(%arg15 : memref<!tpu.dma_semaphore, #tpu.memory_space<semaphore_mem>>)
      %add3A_365 = arith.constant 9 : i32
      %add3A_366 = arith.addi %mul3A_236, %add3A_365 : i32
      %mul3A_367 = arith.constant 64 : i32
      %mul3A_368 = arith.muli %add3A_366, %mul3A_367 : i32
      %multiple_of3A_369 = tpu.assume_multiple %mul3A_368, 8 : i32
      %dma_start3A_370 = arith.constant 576 : i32
      %dma_start3A_371 = arith.constant 0 : i32
      %dma_start3A_372 = tpu.memref_slice %arg6[%dma_start3A_370, %dma_start3A_371] : memref<640x128xf32, #tpu.memory_space<vmem>> -> memref<64x128xf32, #tpu.memory_space<vmem>>
      %dma_start3A_373 = tpu.memref_slice %arg5[%multiple_of3A_369] : memref<6400xi32, #tpu.memory_space<vmem>> -> memref<64xi32, #tpu.memory_space<vmem>>
      %dma_start3A_374 = arith.constant 0 : i32
      %dma_start3A_375 = arith.constant 0 : i32
      %dma_start3A_376 = tpu.memref_slice %arg2[%dma_start3A_374, %dma_start3A_375] : memref<100000x128xf32, #tpu.memory_space<hbm>> -> memref<100000x128xf32, #tpu.memory_space<hbm>>
      tpu.enqueue_indirect_dma source(%dma_start3A_376 : memref<100000x128xf32, #tpu.memory_space<hbm>>) target(%dma_start3A_372 : memref<64x128xf32, #tpu.memory_space<vmem>>) offsets(%dma_start3A_373 : memref<64xi32, #tpu.memory_space<vmem>>) semaphore(%arg16 : memref<!tpu.dma_semaphore, #tpu.memory_space<semaphore_mem>>)
      %multiple_of3A_377 = arith.constant 0 : i32
      %multiple_of3A_378 = tpu.assume_multiple %multiple_of3A_377, 8 : i32
      %dma_wait3A_379 = arith.constant 0 : i32
      %dma_wait3A_380 = arith.constant 0 : i32
      %dma_wait3A_381 = tpu.memref_slice %arg6[%dma_wait3A_379, %dma_wait3A_380] : memref<640x128xf32, #tpu.memory_space<vmem>> -> memref<64x128xf32, #tpu.memory_space<vmem>>
      %dma_wait3A_382 = tpu.memref_slice %arg5[%multiple_of3A_378] : memref<6400xi32, #tpu.memory_space<vmem>> -> memref<64xi32, #tpu.memory_space<vmem>>
      %dma_wait3A_383 = arith.constant 0 : i32
      %dma_wait3A_384 = arith.constant 0 : i32
      %dma_wait3A_385 = tpu.memref_slice %arg2[%dma_wait3A_383, %dma_wait3A_384] : memref<100000x128xf32, #tpu.memory_space<hbm>> -> memref<100000x128xf32, #tpu.memory_space<hbm>>
      tpu.wait_indirect_dma semaphore(%arg7 : memref<!tpu.dma_semaphore, #tpu.memory_space<semaphore_mem>>) src(%dma_wait3A_385 : memref<100000x128xf32, #tpu.memory_space<hbm>>) dst(%dma_wait3A_381 : memref<64x128xf32, #tpu.memory_space<vmem>>)
      %multiple_of3A_386 = arith.constant 0 : i32
      %multiple_of3A_387 = tpu.assume_multiple %multiple_of3A_386, 8 : i32
      %dma_wait3A_388 = arith.constant 64 : i32
      %dma_wait3A_389 = arith.constant 0 : i32
      %dma_wait3A_390 = tpu.memref_slice %arg6[%dma_wait3A_388, %dma_wait3A_389] : memref<640x128xf32, #tpu.memory_space<vmem>> -> memref<64x128xf32, #tpu.memory_space<vmem>>
      %dma_wait3A_391 = tpu.memref_slice %arg5[%multiple_of3A_387] : memref<6400xi32, #tpu.memory_space<vmem>> -> memref<64xi32, #tpu.memory_space<vmem>>
      %dma_wait3A_392 = arith.constant 0 : i32
      %dma_wait3A_393 = arith.constant 0 : i32
      %dma_wait3A_394 = tpu.memref_slice %arg2[%dma_wait3A_392, %dma_wait3A_393] : memref<100000x128xf32, #tpu.memory_space<hbm>> -> memref<100000x128xf32, #tpu.memory_space<hbm>>
      tpu.wait_indirect_dma semaphore(%arg8 : memref<!tpu.dma_semaphore, #tpu.memory_space<semaphore_mem>>) src(%dma_wait3A_394 : memref<100000x128xf32, #tpu.memory_space<hbm>>) dst(%dma_wait3A_390 : memref<64x128xf32, #tpu.memory_space<vmem>>)
      %multiple_of3A_395 = arith.constant 0 : i32
      %multiple_of3A_396 = tpu.assume_multiple %multiple_of3A_395, 8 : i32
      %dma_wait3A_397 = arith.constant 128 : i32
      %dma_wait3A_398 = arith.constant 0 : i32
      %dma_wait3A_399 = tpu.memref_slice %arg6[%dma_wait3A_397, %dma_wait3A_398] : memref<640x128xf32, #tpu.memory_space<vmem>> -> memref<64x128xf32, #tpu.memory_space<vmem>>
      %dma_wait3A_400 = tpu.memref_slice %arg5[%multiple_of3A_396] : memref<6400xi32, #tpu.memory_space<vmem>> -> memref<64xi32, #tpu.memory_space<vmem>>
      %dma_wait3A_401 = arith.constant 0 : i32
      %dma_wait3A_402 = arith.constant 0 : i32
      %dma_wait3A_403 = tpu.memref_slice %arg2[%dma_wait3A_401, %dma_wait3A_402] : memref<100000x128xf32, #tpu.memory_space<hbm>> -> memref<100000x128xf32, #tpu.memory_space<hbm>>
      tpu.wait_indirect_dma semaphore(%arg9 : memref<!tpu.dma_semaphore, #tpu.memory_space<semaphore_mem>>) src(%dma_wait3A_403 : memref<100000x128xf32, #tpu.memory_space<hbm>>) dst(%dma_wait3A_399 : memref<64x128xf32, #tpu.memory_space<vmem>>)
      %multiple_of3A_404 = arith.constant 0 : i32
      %multiple_of3A_405 = tpu.assume_multiple %multiple_of3A_404, 8 : i32
      %dma_wait3A_406 = arith.constant 192 : i32
      %dma_wait3A_407 = arith.constant 0 : i32
      %dma_wait3A_408 = tpu.memref_slice %arg6[%dma_wait3A_406, %dma_wait3A_407] : memref<640x128xf32, #tpu.memory_space<vmem>> -> memref<64x128xf32, #tpu.memory_space<vmem>>
      %dma_wait3A_409 = tpu.memref_slice %arg5[%multiple_of3A_405] : memref<6400xi32, #tpu.memory_space<vmem>> -> memref<64xi32, #tpu.memory_space<vmem>>
      %dma_wait3A_410 = arith.constant 0 : i32
      %dma_wait3A_411 = arith.constant 0 : i32
      %dma_wait3A_412 = tpu.memref_slice %arg2[%dma_wait3A_410, %dma_wait3A_411] : memref<100000x128xf32, #tpu.memory_space<hbm>> -> memref<100000x128xf32, #tpu.memory_space<hbm>>
      tpu.wait_indirect_dma semaphore(%arg10 : memref<!tpu.dma_semaphore, #tpu.memory_space<semaphore_mem>>) src(%dma_wait3A_412 : memref<100000x128xf32, #tpu.memory_space<hbm>>) dst(%dma_wait3A_408 : memref<64x128xf32, #tpu.memory_space<vmem>>)
      %multiple_of3A_413 = arith.constant 0 : i32
      %multiple_of3A_414 = tpu.assume_multiple %multiple_of3A_413, 8 : i32
      %dma_wait3A_415 = arith.constant 256 : i32
      %dma_wait3A_416 = arith.constant 0 : i32
      %dma_wait3A_417 = tpu.memref_slice %arg6[%dma_wait3A_415, %dma_wait3A_416] : memref<640x128xf32, #tpu.memory_space<vmem>> -> memref<64x128xf32, #tpu.memory_space<vmem>>
      %dma_wait3A_418 = tpu.memref_slice %arg5[%multiple_of3A_414] : memref<6400xi32, #tpu.memory_space<vmem>> -> memref<64xi32, #tpu.memory_space<vmem>>
      %dma_wait3A_419 = arith.constant 0 : i32
      %dma_wait3A_420 = arith.constant 0 : i32
      %dma_wait3A_421 = tpu.memref_slice %arg2[%dma_wait3A_419, %dma_wait3A_420] : memref<100000x128xf32, #tpu.memory_space<hbm>> -> memref<100000x128xf32, #tpu.memory_space<hbm>>
      tpu.wait_indirect_dma semaphore(%arg11 : memref<!tpu.dma_semaphore, #tpu.memory_space<semaphore_mem>>) src(%dma_wait3A_421 : memref<100000x128xf32, #tpu.memory_space<hbm>>) dst(%dma_wait3A_417 : memref<64x128xf32, #tpu.memory_space<vmem>>)
      %add3A_422 = arith.constant 0 : i32
      %add3A_423 = arith.addi %mul3A_236, %add3A_422 : i32
      %mul3A_424 = arith.constant 64 : i32
      %mul3A_425 = arith.muli %add3A_423, %mul3A_424 : i32
      %add3A_426 = arith.addi %mul3A_2, %mul3A_425 : i32
      %dma_start3A_427 = arith.constant 0 : i32
      %dma_start3A_428 = arith.constant 0 : i32
      %dma_start3A_429 = tpu.memref_slice %arg6[%dma_start3A_427, %dma_start3A_428] : memref<640x128xf32, #tpu.memory_space<vmem>> -> memref<320x128xf32, #tpu.memory_space<vmem>>
      %dma_start3A_430 = arith.constant 0 : i32
      %dma_start3A_431 = tpu.memref_slice %arg4[%add3A_426, %dma_start3A_430] : memref<204800x128xf32, #tpu.memory_space<hbm>> -> memref<320x128xf32, #tpu.memory_space<hbm>>
      %dma_start3A_432 = arith.constant 0 : i32
      %dma_start3A_433 = tpu.memref_slice %arg4[%add3A_426, %dma_start3A_432] : memref<204800x128xf32, #tpu.memory_space<hbm>> -> memref<320x128xf32, #tpu.memory_space<hbm>>
      %dma_start3A_434 = arith.constant 0 : i32
      %dma_start3A_435 = arith.constant 0 : i32
      %dma_start3A_436 = tpu.memref_slice %arg6[%dma_start3A_434, %dma_start3A_435] : memref<640x128xf32, #tpu.memory_space<vmem>> -> memref<320x128xf32, #tpu.memory_space<vmem>>
      tpu.enqueue_dma source(%dma_start3A_436 : memref<320x128xf32, #tpu.memory_space<vmem>>) target(%dma_start3A_433 : memref<320x128xf32, #tpu.memory_space<hbm>>) target_semaphore(%arg17 : memref<!tpu.dma_semaphore, #tpu.memory_space<semaphore_mem>>)
      %multiple_of3A_437 = arith.constant 0 : i32
      %multiple_of3A_438 = tpu.assume_multiple %multiple_of3A_437, 8 : i32
      %dma_wait3A_439 = arith.constant 320 : i32
      %dma_wait3A_440 = arith.constant 0 : i32
      %dma_wait3A_441 = tpu.memref_slice %arg6[%dma_wait3A_439, %dma_wait3A_440] : memref<640x128xf32, #tpu.memory_space<vmem>> -> memref<64x128xf32, #tpu.memory_space<vmem>>
      %dma_wait3A_442 = tpu.memref_slice %arg5[%multiple_of3A_438] : memref<6400xi32, #tpu.memory_space<vmem>> -> memref<64xi32, #tpu.memory_space<vmem>>
      %dma_wait3A_443 = arith.constant 0 : i32
      %dma_wait3A_444 = arith.constant 0 : i32
      %dma_wait3A_445 = tpu.memref_slice %arg2[%dma_wait3A_443, %dma_wait3A_444] : memref<100000x128xf32, #tpu.memory_space<hbm>> -> memref<100000x128xf32, #tpu.memory_space<hbm>>
      tpu.wait_indirect_dma semaphore(%arg12 : memref<!tpu.dma_semaphore, #tpu.memory_space<semaphore_mem>>) src(%dma_wait3A_445 : memref<100000x128xf32, #tpu.memory_space<hbm>>) dst(%dma_wait3A_441 : memref<64x128xf32, #tpu.memory_space<vmem>>)
      %multiple_of3A_446 = arith.constant 0 : i32
      %multiple_of3A_447 = tpu.assume_multiple %multiple_of3A_446, 8 : i32
      %dma_wait3A_448 = arith.constant 384 : i32
      %dma_wait3A_449 = arith.constant 0 : i32
      %dma_wait3A_450 = tpu.memref_slice %arg6[%dma_wait3A_448, %dma_wait3A_449] : memref<640x128xf32, #tpu.memory_space<vmem>> -> memref<64x128xf32, #tpu.memory_space<vmem>>
      %dma_wait3A_451 = tpu.memref_slice %arg5[%multiple_of3A_447] : memref<6400xi32, #tpu.memory_space<vmem>> -> memref<64xi32, #tpu.memory_space<vmem>>
      %dma_wait3A_452 = arith.constant 0 : i32
      %dma_wait3A_453 = arith.constant 0 : i32
      %dma_wait3A_454 = tpu.memref_slice %arg2[%dma_wait3A_452, %dma_wait3A_453] : memref<100000x128xf32, #tpu.memory_space<hbm>> -> memref<100000x128xf32, #tpu.memory_space<hbm>>
      tpu.wait_indirect_dma semaphore(%arg13 : memref<!tpu.dma_semaphore, #tpu.memory_space<semaphore_mem>>) src(%dma_wait3A_454 : memref<100000x128xf32, #tpu.memory_space<hbm>>) dst(%dma_wait3A_450 : memref<64x128xf32, #tpu.memory_space<vmem>>)
      %multiple_of3A_455 = arith.constant 0 : i32
      %multiple_of3A_456 = tpu.assume_multiple %multiple_of3A_455, 8 : i32
      %dma_wait3A_457 = arith.constant 448 : i32
      %dma_wait3A_458 = arith.constant 0 : i32
      %dma_wait3A_459 = tpu.memref_slice %arg6[%dma_wait3A_457, %dma_wait3A_458] : memref<640x128xf32, #tpu.memory_space<vmem>> -> memref<64x128xf32, #tpu.memory_space<vmem>>
      %dma_wait3A_460 = tpu.memref_slice %arg5[%multiple_of3A_456] : memref<6400xi32, #tpu.memory_space<vmem>> -> memref<64xi32, #tpu.memory_space<vmem>>
      %dma_wait3A_461 = arith.constant 0 : i32
      %dma_wait3A_462 = arith.constant 0 : i32
      %dma_wait3A_463 = tpu.memref_slice %arg2[%dma_wait3A_461, %dma_wait3A_462] : memref<100000x128xf32, #tpu.memory_space<hbm>> -> memref<100000x128xf32, #tpu.memory_space<hbm>>
      tpu.wait_indirect_dma semaphore(%arg14 : memref<!tpu.dma_semaphore, #tpu.memory_space<semaphore_mem>>) src(%dma_wait3A_463 : memref<100000x128xf32, #tpu.memory_space<hbm>>) dst(%dma_wait3A_459 : memref<64x128xf32, #tpu.memory_space<vmem>>)
      %multiple_of3A_464 = arith.constant 0 : i32
      %multiple_of3A_465 = tpu.assume_multiple %multiple_of3A_464, 8 : i32
      %dma_wait3A_466 = arith.constant 512 : i32
      %dma_wait3A_467 = arith.constant 0 : i32
      %dma_wait3A_468 = tpu.memref_slice %arg6[%dma_wait3A_466, %dma_wait3A_467] : memref<640x128xf32, #tpu.memory_space<vmem>> -> memref<64x128xf32, #tpu.memory_space<vmem>>
      %dma_wait3A_469 = tpu.memref_slice %arg5[%multiple_of3A_465] : memref<6400xi32, #tpu.memory_space<vmem>> -> memref<64xi32, #tpu.memory_space<vmem>>
      %dma_wait3A_470 = arith.constant 0 : i32
      %dma_wait3A_471 = arith.constant 0 : i32
      %dma_wait3A_472 = tpu.memref_slice %arg2[%dma_wait3A_470, %dma_wait3A_471] : memref<100000x128xf32, #tpu.memory_space<hbm>> -> memref<100000x128xf32, #tpu.memory_space<hbm>>
      tpu.wait_indirect_dma semaphore(%arg15 : memref<!tpu.dma_semaphore, #tpu.memory_space<semaphore_mem>>) src(%dma_wait3A_472 : memref<100000x128xf32, #tpu.memory_space<hbm>>) dst(%dma_wait3A_468 : memref<64x128xf32, #tpu.memory_space<vmem>>)
      %multiple_of3A_473 = arith.constant 0 : i32
      %multiple_of3A_474 = tpu.assume_multiple %multiple_of3A_473, 8 : i32
      %dma_wait3A_475 = arith.constant 576 : i32
      %dma_wait3A_476 = arith.constant 0 : i32
      %dma_wait3A_477 = tpu.memref_slice %arg6[%dma_wait3A_475, %dma_wait3A_476] : memref<640x128xf32, #tpu.memory_space<vmem>> -> memref<64x128xf32, #tpu.memory_space<vmem>>
      %dma_wait3A_478 = tpu.memref_slice %arg5[%multiple_of3A_474] : memref<6400xi32, #tpu.memory_space<vmem>> -> memref<64xi32, #tpu.memory_space<vmem>>
      %dma_wait3A_479 = arith.constant 0 : i32
      %dma_wait3A_480 = arith.constant 0 : i32
      %dma_wait3A_481 = tpu.memref_slice %arg2[%dma_wait3A_479, %dma_wait3A_480] : memref<100000x128xf32, #tpu.memory_space<hbm>> -> memref<100000x128xf32, #tpu.memory_space<hbm>>
      tpu.wait_indirect_dma semaphore(%arg16 : memref<!tpu.dma_semaphore, #tpu.memory_space<semaphore_mem>>) src(%dma_wait3A_481 : memref<100000x128xf32, #tpu.memory_space<hbm>>) dst(%dma_wait3A_477 : memref<64x128xf32, #tpu.memory_space<vmem>>)
      %add3A_482 = arith.constant 5 : i32
      %add3A_483 = arith.addi %mul3A_236, %add3A_482 : i32
      %mul3A_484 = arith.constant 64 : i32
      %mul3A_485 = arith.muli %add3A_483, %mul3A_484 : i32
      %add3A_486 = arith.addi %mul3A_2, %mul3A_485 : i32
      %dma_start3A_487 = arith.constant 320 : i32
      %dma_start3A_488 = arith.constant 0 : i32
      %dma_start3A_489 = tpu.memref_slice %arg6[%dma_start3A_487, %dma_start3A_488] : memref<640x128xf32, #tpu.memory_space<vmem>> -> memref<320x128xf32, #tpu.memory_space<vmem>>
      %dma_start3A_490 = arith.constant 0 : i32
      %dma_start3A_491 = tpu.memref_slice %arg4[%add3A_486, %dma_start3A_490] : memref<204800x128xf32, #tpu.memory_space<hbm>> -> memref<320x128xf32, #tpu.memory_space<hbm>>
      %dma_start3A_492 = arith.constant 0 : i32
      %dma_start3A_493 = tpu.memref_slice %arg4[%add3A_486, %dma_start3A_492] : memref<204800x128xf32, #tpu.memory_space<hbm>> -> memref<320x128xf32, #tpu.memory_space<hbm>>
      %dma_start3A_494 = arith.constant 320 : i32
      %dma_start3A_495 = arith.constant 0 : i32
      %dma_start3A_496 = tpu.memref_slice %arg6[%dma_start3A_494, %dma_start3A_495] : memref<640x128xf32, #tpu.memory_space<vmem>> -> memref<320x128xf32, #tpu.memory_space<vmem>>
      tpu.enqueue_dma source(%dma_start3A_496 : memref<320x128xf32, #tpu.memory_space<vmem>>) target(%dma_start3A_493 : memref<320x128xf32, #tpu.memory_space<hbm>>) target_semaphore(%arg18 : memref<!tpu.dma_semaphore, #tpu.memory_space<semaphore_mem>>)
      %scan3A_497 = arith.constant 0 : i32
      scf.yield %scan3A_497 : i32
    }
    %scan3A_210 = arith.constant 9 : i32
    %dma_wait3A_211 = arith.constant 0 : i32
    %dma_wait3A_212 = arith.constant 0 : i32
    %dma_wait3A_213 = tpu.memref_slice %arg6[%dma_wait3A_211, %dma_wait3A_212] : memref<640x128xf32, #tpu.memory_space<vmem>> -> memref<320x128xf32, #tpu.memory_space<vmem>>
    %dma_wait3A_214 = arith.constant 0 : i32
    %dma_wait3A_215 = tpu.memref_slice %arg4[%mul3A_2, %dma_wait3A_214] : memref<204800x128xf32, #tpu.memory_space<hbm>> -> memref<320x128xf32, #tpu.memory_space<hbm>>
    %dma_wait3A_216 = arith.constant 0 : i32
    %dma_wait3A_217 = tpu.memref_slice %arg4[%mul3A_2, %dma_wait3A_216] : memref<204800x128xf32, #tpu.memory_space<hbm>> -> memref<320x128xf32, #tpu.memory_space<hbm>>
    %dma_wait3A_218 = arith.constant 0 : i32
    %dma_wait3A_219 = arith.constant 0 : i32
    %dma_wait3A_220 = tpu.memref_slice %arg6[%dma_wait3A_218, %dma_wait3A_219] : memref<640x128xf32, #tpu.memory_space<vmem>> -> memref<320x128xf32, #tpu.memory_space<vmem>>
    tpu.wait_dma2 semaphore(%arg17 : memref<!tpu.dma_semaphore, #tpu.memory_space<semaphore_mem>>) src(%dma_wait3A_220 : memref<320x128xf32, #tpu.memory_space<vmem>>) dst(%dma_wait3A_217 : memref<320x128xf32, #tpu.memory_space<hbm>>)
    %dma_wait3A_221 = arith.constant 320 : i32
    %dma_wait3A_222 = arith.constant 0 : i32
    %dma_wait3A_223 = tpu.memref_slice %arg6[%dma_wait3A_221, %dma_wait3A_222] : memref<640x128xf32, #tpu.memory_space<vmem>> -> memref<320x128xf32, #tpu.memory_space<vmem>>
    %dma_wait3A_224 = arith.constant 0 : i32
    %dma_wait3A_225 = tpu.memref_slice %arg4[%mul3A_2, %dma_wait3A_224] : memref<204800x128xf32, #tpu.memory_space<hbm>> -> memref<320x128xf32, #tpu.memory_space<hbm>>
    %dma_wait3A_226 = arith.constant 0 : i32
    %dma_wait3A_227 = tpu.memref_slice %arg4[%mul3A_2, %dma_wait3A_226] : memref<204800x128xf32, #tpu.memory_space<hbm>> -> memref<320x128xf32, #tpu.memory_space<hbm>>
    %dma_wait3A_228 = arith.constant 320 : i32
    %dma_wait3A_229 = arith.constant 0 : i32
    %dma_wait3A_230 = tpu.memref_slice %arg6[%dma_wait3A_228, %dma_wait3A_229] : memref<640x128xf32, #tpu.memory_space<vmem>> -> memref<320x128xf32, #tpu.memory_space<vmem>>
    tpu.wait_dma2 semaphore(%arg18 : memref<!tpu.dma_semaphore, #tpu.memory_space<semaphore_mem>>) src(%dma_wait3A_230 : memref<320x128xf32, #tpu.memory_space<vmem>>) dst(%dma_wait3A_227 : memref<320x128xf32, #tpu.memory_space<hbm>>)
    return
  }
}

</mosaic_0001>

<sc_bundles>
// kernel: kernel.3.cloned.1.call-start
scs
__scs_entry_jumppad:
0x0: {  	(pc) =	sbr.rel $0x88, $3  }
0x1: {  	(tag) =	ssettag $0x0;
	lr =	simm.s32 $0x1  }
0x2: {  	[smem:$0x3F9F] =	sst lr;
	_ =	strace $0xD0000000  }
0x3: {  	_ = 	snop  }
0x4: {  	_ = 	snop  }
0x5: {  	_ = 	snop  }
0x6: {  	_ = 	snop  }
0x7: {  	_ = 	snop  }
__scs_overlays_trampoline_lowered:
0x8: {  	[smem:$0x3FAE] =	sst s0  }
0x9: {  	[smem:$0x3FAF] =	sst s1  }
0xa: {  	[smem:$0x3FB0] =	sst s2  }
0xb: {  	[smem:$0x3FB1] =	sst s3  }
0xc: {  	[smem:$0x3FB2] =	sst s4  }
0xd: {  	[smem:$0x3FB3] =	sst s5  }
0xe: {  	[smem:$0x3FB4] =	sst s6  }
0xf: {  	[smem:$0x3FB5] =	sst s7  }
0x10: {  	[smem:$0x3FB6] =	sst s8  }
0x11: {  	[smem:$0x3FB7] =	sst s9;
	s0 =	simm.s32 @!p0 $0x0  }
0x12: {  	s1 =	sld [smem:$0x3F9D];
	s0 =	simm.s32 @p0 $0x1  }
0x13: {  	[smem:$0x3FB8] =	sst s0;
	s0 =	simm.s32 @!p1 $0x0  }
0x14: {  	s2 =	sld [smem:$0x3F9C];
	s0 =	simm.s32 @p1 $0x1  }
0x15: {  	[smem:$0x3FB9] =	sst s0;
	s0 =	simm.s32 @!p2 $0x0  }
0x16: {  	s3 =	sld [smem:$0x3FDB];
	s0 =	simm.s32 @p2 $0x1  }
0x17: {  	s4 =	simm.s32 $0x1BF5;
	[smem:$0x3FBB] =	sst s0  }
0x18: {  	s0 =	sld [smem:$0x3F9E];
	_ =	swait.ge [sflag:s4], $0x0  }
0x19: {  	s7 =	sld [smem:$0x3F9F]  }
0x1a: {  	s8 =	sadd.s32 $0xFFFFE003, lr  }
0x1b: {  	s9 =	sadd.s32 $0xFFFFFEF7, lr;
	s5 =	simm.s32 $0xFFFFFFFF;
	p2 =	slt.u32 s8, $0xFFFFF086  }
0x1c: {  	p1 =	slt.u32 s9, $0xF7A;
	s5 =	simm.s32 @!p2 $0x0  }
0x1d: {  	s5 =	simm.s32 @p1 $0x1;
	p0 =	seq.s32 s7, s2  }
0x1e: {  	s7 =	smul.u32 @!p0 $0xF7A, s2;
	p2 =	seq.s32 @!p0 s5, $0x0  }
0x1f: {  	s9 =	smul.u32 $0xF7A, s1;
	s8 =	simm.s32 @!p0 $0x1BF5;
	p2 =	por !p2, p0  }
0x20: {  	[sflag:s8] =	ssyncset.s32 @!p0 $0xFFFFF086;
	s6 =	sadd.s32 @!p0 s3, s7;
	s7 =	simm.s32 @!p0 $0x108  }
0x21: {  	s3 =	sadd.s32 s3, s9;
	s6 =	sadd.s32 @!p0 $0x88, s6;
	s7 =	simm.s32 @p2 $0x1082  }
0x22: {  	[simem:s7], [sflag:s8] =	dma.local @!p0 [hbm:s6], $0xF7A  }
0x23: {  	s9 =	sor.u32 $0xD0000000, s2;
	s6 =	simm.s32 $0x108;
	_ =	swait.ge @!p0 [sflag:s8], $0x0  }
0x24: {  	s3 =	sadd.s32 $0x88, s3;
	s6 =	simm.s32 @!p1 $0x1082;
	[sflag:s4] =	ssyncset.s32 $0xFFFFF086  }
0x25: {  	[simem:s6], [sflag:s4] =	dma.local [hbm:s3], $0xF7A  }
0x26: {  	[smem:$0x3F9F] =	sst s1;
	(tag) =	ssettag s2;
	_ =	strace s9  }
0x27: {  	s1 =	sld [smem:$0x3FAF]  }
0x28: {  	s2 =	sld [smem:$0x3FB0]  }
0x29: {  	s4 =	sld [smem:$0x3FB2]  }
0x2a: {  	p0 =	seq.s32 s5, $0x0;
	s5 =	sld [smem:$0x3FB3]  }
0x2b: {  	s6 =	sld [smem:$0x3FB4]  }
0x2c: {  	s7 =	sld [smem:$0x3FB5]  }
0x2d: {  	s3 =	simm.s32 $0x108;
	s8 =	sld [smem:$0x3FB6]  }
0x2e: {  	s3 =	simm.s32 @!p0 $0x1082;
	s9 =	sld [smem:$0x3FB7]  }
0x2f: {  	lr =	sadd.s32 s0, s3;
	s0 =	sld [smem:$0x3FAE]  }
0x30: {  	s3 =	sld [smem:$0x3FB1]  }
0x31: {  	[smem:$0x3FBA] =	sst s10  }
0x32: {  	s10 =	sld [smem:$0x3FB8];
	_ =	sdelay $0x3  }
0x33: {  	p0 =	seq.s32 s10, $0x1;
	s10 =	sld [smem:$0x3FBA];
	_ =	sdelay $0x3  }
0x34: {  	[smem:$0x3FBA] =	sst s10  }
0x35: {  	s10 =	sld [smem:$0x3FB9];
	_ =	sdelay $0x3  }
0x36: {  	p1 =	seq.s32 s10, $0x1;
	s10 =	sld [smem:$0x3FBA];
	_ =	sdelay $0x3  }
0x37: {  	[smem:$0x3FBA] =	sst s10  }
0x38: {  	s10 =	sld [smem:$0x3FBB]  }
0x39: {  	_ = 	snop;
	(pc) =	sbr.ind lr, $3  }
0x3a: {  	_ = 	snop  }
0x3b: {  	_ = 	snop  }
0x3c: {  	p2 =	seq.s32 s10, $0x1;
	s10 =	sld [smem:$0x3FBA]  }
0x3d: {  	_ =	shalt  }
0x3e: {  	_ =	shalt  }
0x3f: {  	_ =	shalt  }
0x40: {  	_ =	shalt  }
0x41: {  	_ =	shalt  }
0x42: {  	_ =	shalt  }
0x43: {  	_ =	shalt  }
0x44: {  	_ =	shalt  }
0x45: {  	_ =	shalt  }
0x46: {  	_ =	shalt  }
0x47: {  	_ =	shalt  }
0x48: {  	_ =	shalt  }
0x49: {  	_ =	shalt  }
0x4a: {  	_ =	shalt  }
0x4b: {  	_ =	shalt  }
0x4c: {  	_ =	shalt  }
0x4d: {  	_ =	shalt  }
0x4e: {  	_ =	shalt  }
0x4f: {  	_ =	shalt  }
0x50: {  	_ =	shalt  }
0x51: {  	_ =	shalt  }
0x52: {  	_ =	shalt  }
0x53: {  	_ =	shalt  }
0x54: {  	_ =	shalt  }
0x55: {  	_ =	shalt  }
0x56: {  	_ =	shalt  }
0x57: {  	_ =	shalt  }
0x58: {  	_ =	shalt  }
0x59: {  	_ =	shalt  }
0x5a: {  	_ =	shalt  }
0x5b: {  	_ =	shalt  }
0x5c: {  	_ =	shalt  }
0x5d: {  	_ =	shalt  }
0x5e: {  	_ =	shalt  }
0x5f: {  	_ =	shalt  }
0x60: {  	_ =	shalt  }
0x61: {  	_ =	shalt  }
0x62: {  	_ =	shalt  }
0x63: {  	_ =	shalt  }
0x64: {  	_ =	shalt  }
0x65: {  	_ =	shalt  }
0x66: {  	_ =	shalt  }
0x67: {  	_ =	shalt  }
0x68: {  	_ =	shalt  }
0x69: {  	_ =	shalt  }
0x6a: {  	_ =	shalt  }
0x6b: {  	_ =	shalt  }
0x6c: {  	_ =	shalt  }
0x6d: {  	_ =	shalt  }
0x6e: {  	_ =	shalt  }
0x6f: {  	_ =	shalt  }
0x70: {  	_ =	shalt  }
0x71: {  	_ =	shalt  }
0x72: {  	_ =	shalt  }
0x73: {  	_ =	shalt  }
0x74: {  	_ =	shalt  }
0x75: {  	_ =	shalt  }
0x76: {  	_ =	shalt  }
0x77: {  	_ =	shalt  }
0x78: {  	_ =	shalt  }
0x79: {  	_ =	shalt  }
0x7a: {  	_ =	shalt  }
0x7b: {  	_ =	shalt  }
0x7c: {  	_ =	shalt  }
0x7d: {  	_ =	shalt  }
0x7e: {  	_ =	shalt  }
0x7f: {  	_ =	shalt  }
0x80: {  	_ =	shalt  }
0x81: {  	_ =	shalt  }
0x82: {  	_ =	shalt  }
0x83: {  	_ =	shalt  }
0x84: {  	_ =	shalt  }
0x85: {  	_ =	shalt  }
0x86: {  	_ =	shalt  }
0x87: {  	_ =	shalt  }
.Lfunc_end0:
.L_simem_size_0:
called_computation_lowered:
.L_overlay_start_0:
0x88: {  	s2 =	sld [smem:$0x3FD9]  }
0x89: {  	s3 =	sld [smem:$0x3FFE];
	_ =	sdelay $0x1  }
0x8a: {  	s1 =	srdreg.scid  }
0x8b: {  	s0 =	sand.u32 $0x1, s1  }
0x8c: {  	s17 =	sshll.u32 s0, $0xA;
	s2 =	sadd.s32 s3, s2  }
0x8d: {  	s2 =	sadd.s32 s2, s17  }
0x8e: {  	[smem:$0x3FC6] =	sst s2  }
0x8f: {  	_ = 	snop  }
0x90: {  	s2 =	sld [smem:$0x3FC8]  }
0x91: {  	s18 =	sld [smem:$0x3FD0];
	(tm) =	ssettm $0x1  }
0x92: {  	s4 =	sld [smem:$0x3FFB];
	_ =	sdelay $0x3  }
0x93: {  	_ =	strace s4  }
0x94: {  	s4 =	sld [smem:$0x3FFC];
	_ =	sdelay $0x3  }
0x95: {  	_ =	strace s4  }
0x96: {  	s4 =	sld [smem:$0x3FFD];
	_ =	sdelay $0x3  }
0x97: {  	_ =	strace s4  }
0x98: {  	_ =	strace $0x8FFFFFFF  }
0x99: {  	s19 =	sld [smem:$0x3FDB];
	_ =	sdelay $0x1  }
0x9a: {  	s5 =	simm.s32 $_scs_section_size  }
0x9b: {  	s6 =	simm.s32 $_size__tile_overlayer_lowered;
	s7 =	simm.s32 $_tile_overlayer_lowered  }
0x9c: {  	s22 =	simm.s32 $0x1BFF;
	s21 =	sshll.u32 s7, $0x1;
	s4 =	sadd.s32 s5, s19  }
0x9d: {  	s8 =	simm.s32 $0x0;
	s20 =	sshll.u32 s6, $0x1;
	s6 =	sadd.s32 s21, s4  }
0x9e: {  	[timem:s8], [sflag:s22] =	dma.local [hbm:s6], s20  }
0x9f: {  	_ =	swait.ge [sflag:s22], s20  }
0xa0: {  	s5 =	ssub.s32 $0x0, s20;
	[sflag:s22] =	ssyncset.done $0x0  }
0xa1: {  	[sflag:s22] =	ssyncadd.s32 s5;
	_ =	sdelay $0x1  }
0xa2: {  	s23 =	simm.s32 $0x1B8B  }
0xa3: {  	_ =	swait.ge [sflag:s23], $0x1  }
0xa4: {  	[sflag:s23] =	ssyncset.done $0x0  }
0xa5: {  	s25 =	simm.s32 $0x1B8E;
	s24 =	sld [smem:$0x3FFE];
	[sflag:s23] =	ssyncadd.s32 $0xFFFFFFFF  }
0xa6: {  	s26 =	simm.s32 $execute0_lowered;
	[smem:$0x3FD2] =	sst s25  }
0xa7: {  	s6 =	sshll.u32 s26, $0x1;
	_ =	strace $0x80000046;
	[dreg:$0x1] =	wrdreg $0xFFFFFFFF  }
0xa8: {  	s28 =	simm.s32 $_size_execute0_lowered;
	s4 =	sadd.s32 s4, s6;
	[dreg:$0x0] =	wrdreg $0x0  }
0xa9: {  	s6 =	sshll.u32 s28, $0x1;
	[dreg:$0x2] =	wrdreg s4  }
0xaa: {  	[dreg:$0x3] =	wrdreg s6  }
0xab: {  	[dreg:$0x4] =	wrdreg $0xC0  }
0xac: {  	_ =	task [dreg:s8], $0x5FFFF  }
0xad: {  	[dreg:$0x1] =	wrdreg $0xFFFFFFFF  }
0xae: {  	[dreg:$0x0] =	wrdreg $0x60  }
0xaf: {  	[dreg:$0x2] =	wrdreg s2  }
0xb0: {  	[dreg:$0x3] =	wrdreg s24  }
0xb1: {  	[dreg:$0x4] =	wrdreg s18  }
0xb2: {  	[dreg:$0x5] =	wrdreg $0x9  }
0xb3: {  	_ =	task.clear_ibuf [dreg:s8], $0x6FFFF;
	_ =	strace $0x90000046  }
0xb4: {  	s29 =	simm.s32 $0x9;
	_ =	strace $0x80000048  }
0xb5: {  	_ =	swait.ge [sflag:s29], $0x1  }
0xb6: {  	[sflag:s29] =	ssyncadd.s32 $0xFFFFFFFF  }
0xb7: {  	_ =	strace $0x90000048  }
0xb8: {  	_ =	sfence  }
0xb9: {  	s30 =	sld [smem:$0x0];
	_ =	sdelay $0x2  }
0xba: {  	s31 =	sshll.u32 s1, $0xD;
	s1 =	sshrl.u32 s1, $0x2  }
0xbb: {  	s3 =	sand.u32 $0x4000, s31;
	s1 =	sadd.s32 s1, s30  }
0xbc: {  	s0 =	sor.u32 s3, s0;
	s1 =	sshll.u32 s1, $0x11  }
0xbd: {  	s0 =	sor.u32 s1, s0  }
0xbe: {  	s0 =	sadd.s32 $0x8F2B, s0  }
0xbf: {  	[sflag:s0] =	ssyncadd.remote.s32 $0x1  }
0xc0: {  	_ =	sfence.sel $0xFFFF  }
0xc1: {  	[dreg:$0x0] =	wrdreg $0xFFFFFFFF;
	(pc) =	sbr.abs _section_cstart, $3  }
0xc2: {  	[dreg:$0x1] =	wrdreg $0xFFFFFFFF  }
0xc3: {  	_ =	task.clear_ibuf [dreg:s8], $0x2FFFF;
	_ =	strace $0x9FFFFFFF  }
0xc4: {  	(tm) =	ssettm $0x7FFFFFFF  }
0xc5: {  	_ =	shalt  }
tec
execute0_lowered:
.L_overlay_start_1:
0x0: {  	(tag) =	ssettag $0x1  }
0x1: {  	s1 =	rddreg [dreg:$0x0]  }
0x2: {  	s0 =	srdreg.scid;
	s2 =	rddreg [dreg:$0x1]  }
0x3: {  	s10 =	stileid.u32;
	s4 =	rddreg [dreg:$0x2]  }
0x4: {  	s11 =	simm.s32 $0x1900;
	s12 =	simm.s32 $0x3900;
	s14 =	simm.s32 $0x5900  }
0x5: {  	s16 =	simm.s32 $0x7900;
	s18 =	simm.s32 $0x9900;
	s20 =	simm.s32 $0xB900  }
0x6: {  	s22 =	simm.s32 $0xD900;
	s29 =	simm.s32 $0x13900;
	s30 =	simm.s32 $0x1  }
0x7: {  	s31 =	simm.s32 $0x2;
	s13 =	simm.s32 $0x5;
	s15 =	simm.s32 $0x6  }
0x8: {  	s0 =	sand.u32 $0x1, s0;
	s3 =	sshll.u32 s10, $0x1;
	s10 =	smul.u32 $0x32000, s10  }
0x9: {  	s5 =	sor.u32 s0, s3;
	s8 =	ssub.s32 $0x2, s0;
	s0 =	smul.u32 $0x19000, s0  }
0xa: {  	s17 =	simm.s32 $0x7;
	s19 =	simm.s32 $0x8;
	s6 =	smul.u32 $0x1900, s5  }
0xb: {  	s21 =	simm.s32 $0x9;
	s3 =	simm.s32 $0x0;
	s7 =	smul.u32 $0x19000, s5  }
0xc: {  	s28 =	simm.s32 $0xC;
	[smem:$0x7FF] =	sst s3;
	s5 =	smul.u32 $0xC8000, s5  }
0xd: {  	s9 =	sshrl.u32 s8, $0x1;
	s25 =	sadd.s32 s10, s4;
	s10 =	simm.s32 $0x40  }
0xe: {  	_ =	strace $0x80000047;
	s23 =	ssub.s32 s8, s9;
	s0 =	sadd.s32 s0, s25  }
0xf: {  	s25 =	simm.s32 $0xB;
	s6 =	sshrl.u32 s6, $0x3;
	s7 =	sadd.s32 s4, s7  }
0x10: {  	s24 =	sshrl.u32 s5, $0x3;
	s26 =	smax.u32 s23, $0x1;
	[dreg:$0x5] =	wrdreg s7  }
0x11: {  	s0 =	sadd.s32 $0x3C00, s0;
	s2 =	sadd.s32 s6, s2;
	[dreg:$0x7] =	wrdreg s26  }
0x12: {  	s23 =	simm.s32 $0xA;
	[dreg:$0x8] =	wrdreg s0;
	s2 =	sadd.s32 $0x400, s2  }
0x13: {  	s26 =	simm.s32 $0x11900;
	[dreg:$0x4] =	wrdreg s2;
	s2 =	sadd.s32 s4, s24  }
0x14: {  	s0 =	simm.s32 $0x4;
	s24 =	simm.s32 $0xF900;
	s2 =	sadd.s32 $0x1400, s2  }
0x15: {  	s4 =	simm.s32 $0x0;
	[dreg:$0x6] =	wrdreg s2;
	s2 =	simm.s32 $0x3  }
.LBB2_1:
0x16: {  	s5 =	rddreg [dreg:$0x4];
	s8 =	simm.s32 $0xD  }
0x17: {  	[tilespmem:s3], [sflag:$0xD] =	stream.linear.gather [hbm4b:s5+s3], $0x1900, $0x38;
	[tilespmem:$0x15900] =	vst v63  }
0x18: {  	_ =	swait.ge [sflag:s8], $0x1900  }
0x19: {  	[sflag:s8] =	ssyncset.done $0x0  }
0x1a: {  	[sflag:s8] =	ssyncadd.s32 $0xFFFFE700  }
0x1b: {  	[tilespmem:s11], [sflag:$0x1] =	stream.indirect.gather [hbm4b:s1+s10], $0x80, s3, s10, $0xb8;
	[tilespmem:$0x15900] =	vst v63  }
0x1c: {  	_ = 	snop  }
0x1d: {  	[tilespmem:s12], [sflag:$0x2] =	stream.indirect.gather [hbm4b:s1+s10], $0x80, s10, s10, $0xb8;
	[tilespmem:$0x15900] =	vst v63  }
0x1e: {  	s9 =	simm.s32 $0x80  }
0x1f: {  	[tilespmem:s14], [sflag:$0x3] =	stream.indirect.gather [hbm4b:s1+s10], $0x80, s9, s10, $0xb8;
	[tilespmem:$0x15900] =	vst v63  }
0x20: {  	s6 =	simm.s32 $0xC0  }
0x21: {  	[tilespmem:s16], [sflag:$0x4] =	stream.indirect.gather [hbm4b:s1+s10], $0x80, s6, s10, $0xb8;
	[tilespmem:$0x15900] =	vst v63  }
0x22: {  	s7 =	simm.s32 $0x100  }
0x23: {  	[tilespmem:s18], [sflag:$0x5] =	stream.indirect.gather [hbm4b:s1+s10], $0x80, s7, s10, $0xb8;
	[tilespmem:$0x15900] =	vst v63  }
0x24: {  	s8 =	simm.s32 $0x140  }
0x25: {  	[tilespmem:s20], [sflag:$0x6] =	stream.indirect.gather [hbm4b:s1+s10], $0x80, s8, s10, $0xb8;
	[tilespmem:$0x15900] =	vst v63  }
0x26: {  	s9 =	simm.s32 $0x180  }
0x27: {  	[tilespmem:s22], [sflag:$0x7] =	stream.indirect.gather [hbm4b:s1+s10], $0x80, s9, s10, $0xb8;
	[tilespmem:$0x15900] =	vst v63  }
0x28: {  	s6 =	simm.s32 $0x1C0  }
0x29: {  	[tilespmem:s24], [sflag:$0x8] =	stream.indirect.gather [hbm4b:s1+s10], $0x80, s6, s10, $0xb8;
	[tilespmem:$0x15900] =	vst v63  }
0x2a: {  	s7 =	simm.s32 $0x200  }
0x2b: {  	[tilespmem:s26], [sflag:$0x9] =	stream.indirect.gather [hbm4b:s1+s10], $0x80, s7, s10, $0xb8;
	[tilespmem:$0x15900] =	vst v63  }
0x2c: {  	s8 =	simm.s32 $0x240  }
0x2d: {  	[tilespmem:s29], [sflag:$0xA] =	stream.indirect.gather [hbm4b:s1+s10], $0x80, s8, s10, $0xb8;
	[tilespmem:$0x15900] =	vst v63  }
0x2e: {  	_ =	swait.ge [sflag:s30], $0x2000  }
0x2f: {  	[sflag:s30] =	ssyncset.done $0x0  }
0x30: {  	[sflag:s30] =	ssyncadd.s32 $0xFFFFE000  }
0x31: {  	_ =	swait.ge [sflag:s31], $0x2000  }
0x32: {  	[sflag:s31] =	ssyncset.done $0x0  }
0x33: {  	[sflag:s31] =	ssyncadd.s32 $0xFFFFE000  }
0x34: {  	_ =	swait.ge [sflag:s2], $0x2000  }
0x35: {  	[sflag:s2] =	ssyncset.done $0x0  }
0x36: {  	[sflag:s2] =	ssyncadd.s32 $0xFFFFE000  }
0x37: {  	_ =	swait.ge [sflag:s0], $0x2000  }
0x38: {  	[sflag:s0] =	ssyncset.done $0x0  }
0x39: {  	[sflag:s0] =	ssyncadd.s32 $0xFFFFE000  }
0x3a: {  	_ =	swait.ge [sflag:s13], $0x2000  }
0x3b: {  	[sflag:s13] =	ssyncset.done $0x0  }
0x3c: {  	s9 =	rddreg [dreg:$0x5];
	[sflag:s13] =	ssyncadd.s32 $0xFFFFE000  }
0x3d: {  	[hbm4b:s9+s3] =	stream.linear.scatter [tilespmem:s11], [sflag:$0xB], $0xA000, $0x38;
	[tilespmem:$0x15900] =	vst v63  }
0x3e: {  	_ =	swait.ge [sflag:s15], $0x2000  }
0x3f: {  	[sflag:s15] =	ssyncset.done $0x0  }
0x40: {  	[sflag:s15] =	ssyncadd.s32 $0xFFFFE000  }
0x41: {  	_ =	swait.ge [sflag:s17], $0x2000  }
0x42: {  	[sflag:s17] =	ssyncset.done $0x0  }
0x43: {  	[sflag:s17] =	ssyncadd.s32 $0xFFFFE000  }
0x44: {  	_ =	swait.ge [sflag:s19], $0x2000  }
0x45: {  	[sflag:s19] =	ssyncset.done $0x0  }
0x46: {  	[sflag:s19] =	ssyncadd.s32 $0xFFFFE000  }
0x47: {  	_ =	swait.ge [sflag:s21], $0x2000  }
0x48: {  	[sflag:s21] =	ssyncset.done $0x0  }
0x49: {  	[sflag:s21] =	ssyncadd.s32 $0xFFFFE000  }
0x4a: {  	_ =	swait.ge [sflag:s23], $0x2000  }
0x4b: {  	[sflag:s23] =	ssyncset.done $0x0  }
0x4c: {  	s6 =	rddreg [dreg:$0x6];
	[sflag:s23] =	ssyncadd.s32 $0xFFFFE000  }
0x4d: {  	[hbm4b:s6+s3] =	stream.linear.scatter [tilespmem:s20], [sflag:$0xC], $0xA000, $0x38;
	[tilespmem:$0x15900] =	vst v63  }
0x4e: {  	_ =	swait.ge [sflag:s25], $0xA000  }
0x4f: {  	[sflag:s25] =	ssyncset.done $0x0  }
0x50: {  	s7 =	simm.s32 $0x280;
	[sflag:s25] =	ssyncadd.s32 $0xFFFF6000  }
0x51: {  	[tilespmem:s11], [sflag:$0x1] =	stream.indirect.gather [hbm4b:s1+s10], $0x80, s7, s10, $0xb8;
	[tilespmem:$0x15900] =	vst v63  }
0x52: {  	s8 =	simm.s32 $0x2C0  }
0x53: {  	[tilespmem:s12], [sflag:$0x2] =	stream.indirect.gather [hbm4b:s1+s10], $0x80, s8, s10, $0xb8;
	[tilespmem:$0x15900] =	vst v63  }
0x54: {  	s9 =	simm.s32 $0x300  }
0x55: {  	[tilespmem:s14], [sflag:$0x3] =	stream.indirect.gather [hbm4b:s1+s10], $0x80, s9, s10, $0xb8;
	[tilespmem:$0x15900] =	vst v63  }
0x56: {  	s6 =	simm.s32 $0x340  }
0x57: {  	[tilespmem:s16], [sflag:$0x4] =	stream.indirect.gather [hbm4b:s1+s10], $0x80, s6, s10, $0xb8;
	[tilespmem:$0x15900] =	vst v63  }
0x58: {  	s7 =	simm.s32 $0x380  }
0x59: {  	[tilespmem:s18], [sflag:$0x5] =	stream.indirect.gather [hbm4b:s1+s10], $0x80, s7, s10, $0xb8;
	[tilespmem:$0x15900] =	vst v63  }
0x5a: {  	_ =	swait.ge [sflag:s28], $0xA000  }
0x5b: {  	[sflag:s28] =	ssyncset.done $0x0  }
0x5c: {  	s8 =	simm.s32 $0x3C0;
	[sflag:s28] =	ssyncadd.s32 $0xFFFF6000  }
0x5d: {  	[tilespmem:s20], [sflag:$0x6] =	stream.indirect.gather [hbm4b:s1+s10], $0x80, s8, s10, $0xb8;
	[tilespmem:$0x15900] =	vst v63  }
0x5e: {  	s9 =	simm.s32 $0x400  }
0x5f: {  	[tilespmem:s22], [sflag:$0x7] =	stream.indirect.gather [hbm4b:s1+s10], $0x80, s9, s10, $0xb8;
	[tilespmem:$0x15900] =	vst v63  }
0x60: {  	s6 =	simm.s32 $0x440  }
0x61: {  	[tilespmem:s24], [sflag:$0x8] =	stream.indirect.gather [hbm4b:s1+s10], $0x80, s6, s10, $0xb8;
	[tilespmem:$0x15900] =	vst v63  }
0x62: {  	s7 =	simm.s32 $0x480  }
0x63: {  	[tilespmem:s26], [sflag:$0x9] =	stream.indirect.gather [hbm4b:s1+s10], $0x80, s7, s10, $0xb8;
	[tilespmem:$0x15900] =	vst v63  }
0x64: {  	s8 =	simm.s32 $0x4C0  }
0x65: {  	[tilespmem:s29], [sflag:$0xA] =	stream.indirect.gather [hbm4b:s1+s10], $0x80, s8, s10, $0xb8;
	[tilespmem:$0x15900] =	vst v63  }
0x66: {  	_ =	swait.ge [sflag:s30], $0x2000  }
0x67: {  	[sflag:s30] =	ssyncset.done $0x0  }
0x68: {  	[sflag:s30] =	ssyncadd.s32 $0xFFFFE000  }
0x69: {  	_ =	swait.ge [sflag:s31], $0x2000  }
0x6a: {  	[sflag:s31] =	ssyncset.done $0x0  }
0x6b: {  	[sflag:s31] =	ssyncadd.s32 $0xFFFFE000  }
0x6c: {  	_ =	swait.ge [sflag:s2], $0x2000  }
0x6d: {  	[sflag:s2] =	ssyncset.done $0x0  }
0x6e: {  	[sflag:s2] =	ssyncadd.s32 $0xFFFFE000  }
0x6f: {  	_ =	swait.ge [sflag:s0], $0x2000  }
0x70: {  	[sflag:s0] =	ssyncset.done $0x0  }
0x71: {  	[sflag:s0] =	ssyncadd.s32 $0xFFFFE000  }
0x72: {  	_ =	swait.ge [sflag:s13], $0x2000  }
0x73: {  	[sflag:s13] =	ssyncset.done $0x0;
	s8 =	rddreg [dreg:$0x8]  }
0x74: {  	[sflag:s13] =	ssyncadd.s32 $0xFFFFE000;
	s9 =	sadd.s32 $0xFFFFEC00, s8  }
0x75: {  	[hbm4b:s9+s3] =	stream.linear.scatter [tilespmem:s11], [sflag:$0xB], $0xA000, $0x38;
	[tilespmem:$0x15900] =	vst v63  }
0x76: {  	_ =	swait.ge [sflag:s15], $0x2000  }
0x77: {  	[sflag:s15] =	ssyncset.done $0x0  }
0x78: {  	[sflag:s15] =	ssyncadd.s32 $0xFFFFE000  }
0x79: {  	_ =	swait.ge [sflag:s17], $0x2000  }
0x7a: {  	[sflag:s17] =	ssyncset.done $0x0  }
0x7b: {  	[sflag:s17] =	ssyncadd.s32 $0xFFFFE000  }
0x7c: {  	_ =	swait.ge [sflag:s19], $0x2000  }
0x7d: {  	[sflag:s19] =	ssyncset.done $0x0  }
0x7e: {  	[sflag:s19] =	ssyncadd.s32 $0xFFFFE000  }
0x7f: {  	_ =	swait.ge [sflag:s21], $0x2000  }
0x80: {  	[sflag:s21] =	ssyncset.done $0x0  }
0x81: {  	[sflag:s21] =	ssyncadd.s32 $0xFFFFE000  }
0x82: {  	_ =	swait.ge [sflag:s23], $0x2000  }
0x83: {  	[sflag:s23] =	ssyncset.done $0x0  }
0x84: {  	s5 =	simm.s32 $0xA00;
	s6 =	sadd.s32 $0x2800, s8;
	[sflag:s23] =	ssyncadd.s32 $0xFFFFE000  }
.LBB2_2:
0x85: {  	[hbm4b:s8+s3] =	stream.linear.scatter [tilespmem:s20], [sflag:$0xC], $0xA000, $0x38;
	[tilespmem:$0x15900] =	vst v63  }
0x86: {  	s9 =	smov.u32 s5;
	s8 =	smov.u32 s6  }
0x87: {  	p0 =	sne.s32 s5, $0x5000;
	s5 =	sadd.s32 $0xA00, s5;
	_ =	swait.ge [sflag:s25], $0xA000  }
0x88: {  	s9 =	sshra.s32 s9, $0x2;
	[sflag:s25] =	ssyncset.done $0x0  }
0x89: {  	s7 =	sadd.s32 $0x280, s9;
	[sflag:s25] =	ssyncadd.s32 $0xFFFF6000  }
0x8a: {  	[tilespmem:s11], [sflag:$0x1] =	stream.indirect.gather [hbm4b:s1+s10], $0x80, s7, s10, $0xb8;
	[tilespmem:$0x15900] =	vst v63  }
0x8b: {  	s7 =	sadd.s32 $0x2C0, s9  }
0x8c: {  	[tilespmem:s12], [sflag:$0x2] =	stream.indirect.gather [hbm4b:s1+s10], $0x80, s7, s10, $0xb8;
	[tilespmem:$0x15900] =	vst v63  }
0x8d: {  	s7 =	sadd.s32 $0x300, s9  }
0x8e: {  	[tilespmem:s14], [sflag:$0x3] =	stream.indirect.gather [hbm4b:s1+s10], $0x80, s7, s10, $0xb8;
	[tilespmem:$0x15900] =	vst v63  }
0x8f: {  	s7 =	sadd.s32 $0x340, s9  }
0x90: {  	[tilespmem:s16], [sflag:$0x4] =	stream.indirect.gather [hbm4b:s1+s10], $0x80, s7, s10, $0xb8;
	[tilespmem:$0x15900] =	vst v63  }
0x91: {  	s7 =	sadd.s32 $0x380, s9  }
0x92: {  	[tilespmem:s18], [sflag:$0x5] =	stream.indirect.gather [hbm4b:s1+s10], $0x80, s7, s10, $0xb8;
	[tilespmem:$0x15900] =	vst v63  }
0x93: {  	_ =	swait.ge [sflag:s28], $0xA000  }
0x94: {  	[sflag:s28] =	ssyncset.done $0x0  }
0x95: {  	s7 =	sadd.s32 $0x3C0, s9;
	[sflag:s28] =	ssyncadd.s32 $0xFFFF6000  }
0x96: {  	[tilespmem:s20], [sflag:$0x6] =	stream.indirect.gather [hbm4b:s1+s10], $0x80, s7, s10, $0xb8;
	[tilespmem:$0x15900] =	vst v63  }
0x97: {  	s7 =	sadd.s32 $0x400, s9  }
0x98: {  	[tilespmem:s22], [sflag:$0x7] =	stream.indirect.gather [hbm4b:s1+s10], $0x80, s7, s10, $0xb8;
	[tilespmem:$0x15900] =	vst v63  }
0x99: {  	s7 =	sadd.s32 $0x440, s9  }
0x9a: {  	[tilespmem:s24], [sflag:$0x8] =	stream.indirect.gather [hbm4b:s1+s10], $0x80, s7, s10, $0xb8;
	[tilespmem:$0x15900] =	vst v63  }
0x9b: {  	s7 =	sadd.s32 $0x480, s9  }
0x9c: {  	[tilespmem:s26], [sflag:$0x9] =	stream.indirect.gather [hbm4b:s1+s10], $0x80, s7, s10, $0xb8;
	[tilespmem:$0x15900] =	vst v63  }
0x9d: {  	s7 =	sadd.s32 $0x4C0, s9  }
0x9e: {  	[tilespmem:s29], [sflag:$0xA] =	stream.indirect.gather [hbm4b:s1+s10], $0x80, s7, s10, $0xb8;
	[tilespmem:$0x15900] =	vst v63  }
0x9f: {  	_ =	swait.ge [sflag:s30], $0x2000  }
0xa0: {  	[sflag:s30] =	ssyncset.done $0x0  }
0xa1: {  	[sflag:s30] =	ssyncadd.s32 $0xFFFFE000  }
0xa2: {  	_ =	swait.ge [sflag:s31], $0x2000  }
0xa3: {  	[sflag:s31] =	ssyncset.done $0x0  }
0xa4: {  	[sflag:s31] =	ssyncadd.s32 $0xFFFFE000  }
0xa5: {  	_ =	swait.ge [sflag:s2], $0x2000  }
0xa6: {  	[sflag:s2] =	ssyncset.done $0x0  }
0xa7: {  	[sflag:s2] =	ssyncadd.s32 $0xFFFFE000  }
0xa8: {  	_ =	swait.ge [sflag:s0], $0x2000  }
0xa9: {  	[sflag:s0] =	ssyncset.done $0x0  }
0xaa: {  	[sflag:s0] =	ssyncadd.s32 $0xFFFFE000  }
0xab: {  	_ =	swait.ge [sflag:s13], $0x2000  }
0xac: {  	[sflag:s13] =	ssyncset.done $0x0  }
0xad: {  	s7 =	sadd.s32 $0xFFFFEC00, s6;
	[sflag:s13] =	ssyncadd.s32 $0xFFFFE000  }
0xae: {  	[hbm4b:s7+s3] =	stream.linear.scatter [tilespmem:s11], [sflag:$0xB], $0xA000, $0x38;
	[tilespmem:$0x15900] =	vst v63  }
0xaf: {  	_ =	swait.ge [sflag:s15], $0x2000  }
0xb0: {  	[sflag:s15] =	ssyncset.done $0x0  }
0xb1: {  	[sflag:s15] =	ssyncadd.s32 $0xFFFFE000  }
0xb2: {  	_ =	swait.ge [sflag:s17], $0x2000  }
0xb3: {  	[sflag:s17] =	ssyncset.done $0x0  }
0xb4: {  	[sflag:s17] =	ssyncadd.s32 $0xFFFFE000  }
0xb5: {  	_ =	swait.ge [sflag:s19], $0x2000  }
0xb6: {  	[sflag:s19] =	ssyncset.done $0x0  }
0xb7: {  	[sflag:s19] =	ssyncadd.s32 $0xFFFFE000  }
0xb8: {  	_ =	swait.ge [sflag:s21], $0x2000  }
.Ltmp0:
0xb9: {  	[sflag:s21] =	ssyncset.done $0x0;
	(pc) =	sbr.rel @p0 .LBB2_2-.Ltmp0, $4  }
0xba: {  	[sflag:s21] =	ssyncadd.s32 $0xFFFFE000  }
0xbb: {  	_ =	swait.ge [sflag:s23], $0x2000  }
0xbc: {  	[sflag:s23] =	ssyncset.done $0x0  }
0xbd: {  	s6 =	sadd.s32 $0x2800, s6;
	[sflag:s23] =	ssyncadd.s32 $0xFFFFE000  }
0xbe: {  	[hbm4b:s8+s3] =	stream.linear.scatter [tilespmem:s20], [sflag:$0xC], $0xA000, $0x38;
	[tilespmem:$0x15900] =	vst v63  }
0xbf: {  	_ =	swait.ge [sflag:s25], $0xA000  }
0xc0: {  	[sflag:s25] =	ssyncset.done $0x0  }
0xc1: {  	[sflag:s25] =	ssyncadd.s32 $0xFFFF6000  }
0xc2: {  	_ =	swait.ge [sflag:s28], $0xA000  }
0xc3: {  	s4 =	sadd.s32 $0x1, s4;
	s5 =	rddreg [dreg:$0x7]  }
0xc4: {  	p0 =	sne.s32 s4, s5  }
.Ltmp1:
0xc5: {  	_ = 	snop;
	(pc) =	sbr.rel @p0 .LBB2_1-.Ltmp1, $3  }
0xc6: {  	_ =	sdelay $0x1  }
0xc7: {  	[sflag:s28] =	ssyncset.done $0x0  }
0xc8: {  	[sflag:s28] =	ssyncadd.s32 $0xFFFF6000  }
0xc9: {  	_ =	sfence.sel $0x180000  }
0xca: {  	[bflag:$0x0] =	sbarrier.arrive $0xFFFF  }
0xcb: {  	_ =	strace $0x90000047  }
0xcc: {  	s0 =	stileid.u32;
	[bflag:$0x2] =	sbarrier.arrive $0xFFFF  }
0xcd: {  	p0 =	sne.s32 s0, $0x0;
	s0 =	rddreg [dreg:$0x3]  }
0xce: {  	s0 =	sadd.s32 @!p0 $0x100000, s0  }
0xcf: {  	[sflag:s0] =	ssyncadd.tile.s32 @!p0 $0x1;
	_ =	shalt  }
.Lfunc_end2:
_tile_overlayer_lowered:
.L_overlay_start_2:
0xd0: {  	(tag) =	ssettag $0x2  }
0xd1: {  	s0 =	rddreg [dreg:$0x0];
	s2 =	stileid.u32  }
0xd2: {  	s1 =	rddreg [dreg:$0x1];
	p0 =	sne.s32 s2, $0x0  }
0xd3: {  	s3 =	rddreg [dreg:$0x2];
	[bflag:$0x3] =	sbarrier.arrive $0xFFFF;
	s2 =	simm.s32 @!p0 $0x1C0D  }
0xd4: {  	[timem:s3], [sflag:s2] =	dma.local @!p0 [hbm:s0], s1  }
0xd5: {  	s0 =	simm.s32 @!p0 $0xD  }
0xd6: {  	_ =	swait.ge @!p0 [sflag:s0], s1  }
0xd7: {  	s1 =	ssub.s32 @!p0 $0x0, s1;
	[sflag:s0] =	ssyncset.done @!p0 $0x0  }
0xd8: {  	[sflag:s0] =	ssyncadd.s32 @!p0 s1  }
0xd9: {  	[bflag:$0x3] =	sbarrier.arrive $0xFFFF  }
0xda: {  	_ =	shalt  }

</sc_bundles>
